<compile_context>
chip_gen: v7x
topology: tpu7x:2x2x1
jax: 0.10.2.dev20260603
libtpu: 0.0.44.dev20260713+nightly
codegen_flags: <defaults>
</compile_context>

<pallas_src>
import functools

import jax
import jax.numpy as jnp
from jax import lax
from jax.experimental import pallas as pl
from jax.experimental.pallas import tpu as pltpu
from jax.experimental.pallas import tpu_sc as plsc

_DIM = 300
_DIMP = 384
_TAIL = _DIM - 256
_NC = 2
_NS = 16
_NW = _NC * _NS
_CH = 80


def _make_gather(n_idx):
    assert n_idx % (_NW * _CH * 2) == 0
    n_chunk = n_idx // (_NW * _CH)
    b_per_w = n_chunk * _CH
    mesh = plsc.VectorSubcoreMesh(core_axis_name="c", subcore_axis_name="s")

    @functools.partial(
        pl.kernel,
        mesh=mesh,
        out_type=jax.ShapeDtypeStruct((n_idx, _DIM), jnp.float32),
        scratch_types=[
            pltpu.VMEM((n_chunk, _CH), jnp.int32),
            pltpu.VMEM((2, _CH, _DIMP), jnp.float32),
            pltpu.VMEM((2, _CH, _TAIL), jnp.float32),
            pltpu.SemaphoreType.DMA,
            pltpu.SemaphoreType.DMA,
            pltpu.SemaphoreType.DMA,
        ],
    )
    def gather_kernel(idx_hbm, table_hbm, out_hbm, idx_v, buf, tails, gsem,
                      wsem0, wsem1):
        wid = lax.axis_index("s") * _NC + lax.axis_index("c")
        base = pl.multiple_of(wid * b_per_w, 8)
        pltpu.sync_copy(idx_hbm.at[wid], idx_v)
        wsems = (wsem0, wsem1)

        def start_gather(j, s):
            pltpu.async_copy(table_hbm.at[idx_v.at[j]], buf.at[s], gsem)

        def wait_gather(s):
            pltpu.make_async_copy(table_hbm.at[idx_v.at[0]], buf.at[s],
                                  gsem).wait()

        def out_rows(j):
            row0 = pl.multiple_of(base + j * _CH, 8)
            return out_hbm.at[pl.ds(row0, _CH)]

        def compact(s):
            def crow(r, c):
                tails[s, r, pl.ds(0, 16)] = buf[s, r, pl.ds(256, 16)]
                tails[s, r, pl.ds(16, 16)] = buf[s, r, pl.ds(272, 16)]
                tails[s, r, pl.ds(_TAIL - 16, 16)] = buf[s, r,
                                                         pl.ds(240 + _TAIL, 16)]
                return c
            lax.fori_loop(0, _CH, crow, 0, unroll=4)

        def start_writes(j, s):
            rows = out_rows(j)
            sem = wsems[s]
            pltpu.async_copy(buf.at[s, :, pl.ds(0, 128)],
                             rows.at[:, pl.ds(0, 128)], sem)
            pltpu.async_copy(buf.at[s, :, pl.ds(128, 128)],
                             rows.at[:, pl.ds(128, 128)], sem)
            pltpu.async_copy(tails.at[s], rows.at[:, pl.ds(256, _TAIL)], sem)

        def wait_writes(s):
            rows = out_rows(0)
            sem = wsems[s]
            pltpu.make_async_copy(buf.at[s, :, pl.ds(0, 128)],
                                  rows.at[:, pl.ds(0, 128)], sem).wait()
            pltpu.make_async_copy(buf.at[s, :, pl.ds(128, 128)],
                                  rows.at[:, pl.ds(128, 128)], sem).wait()
            pltpu.make_async_copy(tails.at[s],
                                  rows.at[:, pl.ds(256, _TAIL)], sem).wait()

        start_gather(0, 0)

        def body(t, carry):
            j0 = 2 * t
            j1 = j0 + 1
            wait_gather(0)

            @pl.when(t > 0)
            def _():
                wait_writes(1)

            start_gather(j1, 1)
            compact(0)
            start_writes(j0, 0)
            wait_gather(1)
            wait_writes(0)

            @pl.when(t < n_chunk // 2 - 1)
            def _():
                start_gather(j0 + 2, 0)

            compact(1)
            start_writes(j1, 1)
            return carry

        lax.fori_loop(0, n_chunk // 2, body, 0)
        wait_writes(1)

    return gather_kernel


def kernel(idxes, table):
    batch, seq = idxes.shape
    n_idx = batch * seq
    idx3d = idxes.reshape(_NW, n_idx // (_NW * _CH), _CH).astype(jnp.int32)
    eye_pad = (jnp.arange(_DIM)[:, None] == jnp.arange(_DIMP)[None, :]
               ).astype(table.dtype)
    table_p = jax.lax.dot(table, eye_pad,
                          precision=jax.lax.Precision.HIGHEST)
    out = _make_gather(n_idx)(idx3d, table_p)
    return out.reshape(batch, seq, _DIM)

# --- scband reference (transcript-rebuilt; emitter-appended) ---
"""Pipeline reference for scband-word-embedding-88321707475269 (READ-ONLY COPY).

The authoritative reference and input builder live on the scoring server;
editing this copy changes nothing except your own understanding.
"""

import jax, jax.numpy as jnp
import numpy as np

VOCAB = 100000
DIM = 300
BATCH = 1024
SEQ = 200

def setup_inputs(seed: int = 0) -> dict:
    key = jax.random.key(seed)
    k_table, k_idx = jax.random.split(key)
    # Pretrained embedding table (stands in for word2vec loaded from disk),
    # shape [vocab_size, dim] per WordEmbedding(dim=300).
    table = jax.random.normal(k_table, (VOCAB, DIM), dtype=jnp.float32) * 0.1
    idxes = jax.random.randint(k_idx, (BATCH, SEQ), 0, VOCAB)
    return {"idxes": idxes, "table": table}

def reference(idxes, table):
    # WordEmbedding.forward: self.wordEmbed(idxes) == embedding row gather
    return jnp.take(table, idxes, axis=0)

if __name__ == "__main__":
    import jax
    _d = setup_inputs()
    print(jax.jit(kernel)(*tuple(_d.values())))

</pallas_src>

<mosaic_0001>
#map = affine_map<(d0, d1) -> (0, 0, 0)>
#map1 = affine_map<(d0, d1) -> (0, 0)>
module attributes {stable_mosaic.version = 14 : i64} {
  func.func @gather_kernel(%arg0: i32, %arg1: i32, %arg2: memref<32x80x80xi32, #tpu.memory_space<hbm>>, %arg3: memref<100000x384xf32, #tpu.memory_space<hbm>>, %arg4: memref<204800x300xf32, #tpu.memory_space<hbm>>, %arg5: memref<80x80xi32, #tpu.memory_space<vmem>>, %arg6: memref<2x80x384xf32, #tpu.memory_space<vmem>>, %arg7: memref<2x80x44xf32, #tpu.memory_space<vmem>>, %arg8: memref<!tpu.dma_semaphore, #tpu.memory_space<semaphore_mem>>, %arg9: memref<!tpu.dma_semaphore, #tpu.memory_space<semaphore_mem>>, %arg10: memref<!tpu.dma_semaphore, #tpu.memory_space<semaphore_mem>>) attributes {dimension_semantics = [#tpu.dimension_semantics<core_parallel>, #tpu.dimension_semantics<subcore_parallel>], iteration_bounds = array<i64: 2, 16>, scalar_prefetch = 0 : i64, scratch_operands = 6 : i64, tpu.core_type = #tpu.core_type<sc_vector_subcore>, window_params = [{transform_indices = #map}, {transform_indices = #map1}, {transform_indices = #map1}]} {
    %mul3A = arith.constant 2 : i32
    %mul3A_0 = arith.muli %arg1, %mul3A : i32
    %add3A = arith.addi %mul3A_0, %arg0 : i32
    %mul3A_1 = arith.constant 6400 : i32
    %mul3A_2 = arith.muli %add3A, %mul3A_1 : i32
    %multiple_of3A = tpu.assume_multiple %mul3A_2, 8 : i32
    "tpu.region"() ({
      %run_scoped3A = tpu.sem_alloc : memref<!tpu.dma_semaphore, #tpu.memory_space<semaphore_mem>>
      %dma_start3A_78 = arith.constant 0 : i32
      %dma_start3A_79 = arith.constant 0 : i32
      %dma_start3A_80 = tpu.memref_slice %arg2[%add3A, %dma_start3A_78, %dma_start3A_79] : memref<32x80x80xi32, #tpu.memory_space<hbm>> -> memref<1x80x80xi32, #tpu.memory_space<hbm>>
      %dma_start3A_81 = tpu.memref_squeeze %dma_start3A_80 : memref<1x80x80xi32, #tpu.memory_space<hbm>> -> memref<80x80xi32, #tpu.memory_space<hbm>>
      %dma_start3A_82 = arith.constant 0 : i32
      %dma_start3A_83 = arith.constant 0 : i32
      %dma_start3A_84 = tpu.memref_slice %arg2[%add3A, %dma_start3A_82, %dma_start3A_83] : memref<32x80x80xi32, #tpu.memory_space<hbm>> -> memref<1x80x80xi32, #tpu.memory_space<hbm>>
      %dma_start3A_85 = tpu.memref_squeeze %dma_start3A_84 : memref<1x80x80xi32, #tpu.memory_space<hbm>> -> memref<80x80xi32, #tpu.memory_space<hbm>>
      tpu.enqueue_dma source(%dma_start3A_85 : memref<80x80xi32, #tpu.memory_space<hbm>>) target(%arg5 : memref<80x80xi32, #tpu.memory_space<vmem>>) target_semaphore(%run_scoped3A : memref<!tpu.dma_semaphore, #tpu.memory_space<semaphore_mem>>)
      %dma_wait3A_86 = arith.constant 0 : i32
      %dma_wait3A_87 = arith.constant 0 : i32
      %dma_wait3A_88 = tpu.memref_slice %arg2[%add3A, %dma_wait3A_86, %dma_wait3A_87] : memref<32x80x80xi32, #tpu.memory_space<hbm>> -> memref<1x80x80xi32, #tpu.memory_space<hbm>>
      %dma_wait3A_89 = tpu.memref_squeeze %dma_wait3A_88 : memref<1x80x80xi32, #tpu.memory_space<hbm>> -> memref<80x80xi32, #tpu.memory_space<hbm>>
      %dma_wait3A_90 = arith.constant 0 : i32
      %dma_wait3A_91 = arith.constant 0 : i32
      %dma_wait3A_92 = tpu.memref_slice %arg2[%add3A, %dma_wait3A_90, %dma_wait3A_91] : memref<32x80x80xi32, #tpu.memory_space<hbm>> -> memref<1x80x80xi32, #tpu.memory_space<hbm>>
      %dma_wait3A_93 = tpu.memref_squeeze %dma_wait3A_92 : memref<1x80x80xi32, #tpu.memory_space<hbm>> -> memref<80x80xi32, #tpu.memory_space<hbm>>
      tpu.wait_dma2 semaphore(%run_scoped3A : memref<!tpu.dma_semaphore, #tpu.memory_space<semaphore_mem>>) src(%dma_wait3A_93 : memref<80x80xi32, #tpu.memory_space<hbm>>) dst(%arg5 : memref<80x80xi32, #tpu.memory_space<vmem>>)
      tpu.yield
    }) : () -> ()
    %dma_start3A = arith.constant 0 : i32
    %dma_start3A_3 = arith.constant 0 : i32
    %dma_start3A_4 = arith.constant 0 : i32
    %dma_start3A_5 = arith.constant 0 : i32
    %dma_start3A_6 = tpu.memref_slice %arg6[%dma_start3A_3, %dma_start3A_4, %dma_start3A_5] : memref<2x80x384xf32, #tpu.memory_space<vmem>> -> memref<1x80x384xf32, #tpu.memory_space<vmem>>
    %dma_start3A_7 = tpu.memref_squeeze %dma_start3A_6 : memref<1x80x384xf32, #tpu.memory_space<vmem>> -> memref<80x384xf32, #tpu.memory_space<vmem>>
    %dma_start3A_8 = arith.constant 0 : i32
    %dma_start3A_9 = tpu.memref_slice %arg5[%dma_start3A, %dma_start3A_8] : memref<80x80xi32, #tpu.memory_space<vmem>> -> memref<1x80xi32, #tpu.memory_space<vmem>>
    %dma_start3A_10 = tpu.memref_squeeze %dma_start3A_9 : memref<1x80xi32, #tpu.memory_space<vmem>> -> memref<80xi32, #tpu.memory_space<vmem>>
    %dma_start3A_11 = arith.constant 0 : i32
    %dma_start3A_12 = arith.constant 0 : i32
    %dma_start3A_13 = tpu.memref_slice %arg3[%dma_start3A_11, %dma_start3A_12] : memref<100000x384xf32, #tpu.memory_space<hbm>> -> memref<100000x384xf32, #tpu.memory_space<hbm>>
    tpu.enqueue_indirect_dma source(%dma_start3A_13 : memref<100000x384xf32, #tpu.memory_space<hbm>>) target(%dma_start3A_7 : memref<80x384xf32, #tpu.memory_space<vmem>>) offsets(%dma_start3A_10 : memref<80xi32, #tpu.memory_space<vmem>>) semaphore(%arg8 : memref<!tpu.dma_semaphore, #tpu.memory_space<semaphore_mem>>)
    %scan3A = arith.constant 0 : i32
    %scan3A_14 = arith.constant 0 : i32
    %scan3A_15 = arith.constant 40 : i32
    %scan3A_16 = arith.addi %scan3A_14, %scan3A_15 : i32
    %scan3A_17 = arith.constant 1 : i32
    scf.for %scan3A_78 = %scan3A_14 to %scan3A_16 step %scan3A_17  : i32 {
      %mul3A_79 = arith.constant 2 : i32
      %mul3A_80 = arith.muli %mul3A_79, %scan3A_78 : i32
      %add3A_81 = arith.constant 1 : i32
      %add3A_82 = arith.addi %mul3A_80, %add3A_81 : i32
      %dma_wait3A_83 = arith.constant 0 : i32
      %dma_wait3A_84 = arith.constant 0 : i32
      %dma_wait3A_85 = arith.constant 0 : i32
      %dma_wait3A_86 = arith.constant 0 : i32
      %dma_wait3A_87 = tpu.memref_slice %arg6[%dma_wait3A_84, %dma_wait3A_85, %dma_wait3A_86] : memref<2x80x384xf32, #tpu.memory_space<vmem>> -> memref<1x80x384xf32, #tpu.memory_space<vmem>>
      %dma_wait3A_88 = tpu.memref_squeeze %dma_wait3A_87 : memref<1x80x384xf32, #tpu.memory_space<vmem>> -> memref<80x384xf32, #tpu.memory_space<vmem>>
      %dma_wait3A_89 = arith.constant 0 : i32
      %dma_wait3A_90 = tpu.memref_slice %arg5[%dma_wait3A_83, %dma_wait3A_89] : memref<80x80xi32, #tpu.memory_space<vmem>> -> memref<1x80xi32, #tpu.memory_space<vmem>>
      %dma_wait3A_91 = tpu.memref_squeeze %dma_wait3A_90 : memref<1x80xi32, #tpu.memory_space<vmem>> -> memref<80xi32, #tpu.memory_space<vmem>>
      %dma_wait3A_92 = arith.constant 0 : i32
      %dma_wait3A_93 = arith.constant 0 : i32
      %dma_wait3A_94 = tpu.memref_slice %arg3[%dma_wait3A_92, %dma_wait3A_93] : memref<100000x384xf32, #tpu.memory_space<hbm>> -> memref<100000x384xf32, #tpu.memory_space<hbm>>
      tpu.wait_indirect_dma semaphore(%arg8 : memref<!tpu.dma_semaphore, #tpu.memory_space<semaphore_mem>>) src(%dma_wait3A_94 : memref<100000x384xf32, #tpu.memory_space<hbm>>) dst(%dma_wait3A_88 : memref<80x384xf32, #tpu.memory_space<vmem>>)
      %gt3A = arith.constant 0 : i32
      %gt3A_95 = arith.cmpi sgt, %scan3A_78, %gt3A : i32
      %convert_element_type3A = arith.extui %gt3A_95 : i1 to i32
      %cond3A = arith.constant 0 : i32
      %cond3A_96 = arith.cmpi ne, %convert_element_type3A, %cond3A : i32
      scf.if %cond3A_96 {
        %add3A_318 = arith.constant 0 : i32
        %add3A_319 = arith.addi %multiple_of3A, %add3A_318 : i32
        %multiple_of3A_320 = tpu.assume_multiple %add3A_319, 8 : i32
        %dma_wait3A_321 = arith.constant 1 : i32
        %dma_wait3A_322 = arith.constant 0 : i32
        %dma_wait3A_323 = arith.constant 0 : i32
        %dma_wait3A_324 = tpu.memref_slice %arg6[%dma_wait3A_321, %dma_wait3A_322, %dma_wait3A_323] : memref<2x80x384xf32, #tpu.memory_space<vmem>> -> memref<1x80x128xf32, #tpu.memory_space<vmem>>
        %dma_wait3A_325 = tpu.memref_squeeze %dma_wait3A_324 : memref<1x80x128xf32, #tpu.memory_space<vmem>> -> memref<80x128xf32, #tpu.memory_space<vmem>>
        %dma_wait3A_326 = arith.constant 0 : i32
        %dma_wait3A_327 = tpu.memref_slice %arg4[%multiple_of3A_320, %dma_wait3A_326] : memref<204800x300xf32, #tpu.memory_space<hbm>> -> memref<80x300xf32, #tpu.memory_space<hbm>>
        %dma_wait3A_328 = arith.constant 0 : i32
        %dma_wait3A_329 = arith.constant 0 : i32
        %dma_wait3A_330 = tpu.memref_slice %dma_wait3A_327[%dma_wait3A_328, %dma_wait3A_329] : memref<80x300xf32, #tpu.memory_space<hbm>> -> memref<80x128xf32, #tpu.memory_space<hbm>>
        %dma_wait3A_331 = arith.constant 0 : i32
        %dma_wait3A_332 = tpu.memref_slice %arg4[%multiple_of3A_320, %dma_wait3A_331] : memref<204800x300xf32, #tpu.memory_space<hbm>> -> memref<80x300xf32, #tpu.memory_space<hbm>>
        %dma_wait3A_333 = arith.constant 0 : i32
        %dma_wait3A_334 = arith.constant 0 : i32
        %dma_wait3A_335 = tpu.memref_slice %dma_wait3A_332[%dma_wait3A_333, %dma_wait3A_334] : memref<80x300xf32, #tpu.memory_space<hbm>> -> memref<80x128xf32, #tpu.memory_space<hbm>>
        %dma_wait3A_336 = arith.constant 0 : i32
        %dma_wait3A_337 = arith.constant 0 : i32
        %dma_wait3A_338 = tpu.memref_slice %arg6[%dma_wait3A_321, %dma_wait3A_336, %dma_wait3A_337] : memref<2x80x384xf32, #tpu.memory_space<vmem>> -> memref<1x80x128xf32, #tpu.memory_space<vmem>>
        %dma_wait3A_339 = tpu.memref_squeeze %dma_wait3A_338 : memref<1x80x128xf32, #tpu.memory_space<vmem>> -> memref<80x128xf32, #tpu.memory_space<vmem>>
        tpu.wait_dma2 semaphore(%arg10 : memref<!tpu.dma_semaphore, #tpu.memory_space<semaphore_mem>>) src(%dma_wait3A_339 : memref<80x128xf32, #tpu.memory_space<vmem>>) dst(%dma_wait3A_335 : memref<80x128xf32, #tpu.memory_space<hbm>>)
        %dma_wait3A_340 = arith.constant 1 : i32
        %dma_wait3A_341 = arith.constant 0 : i32
        %dma_wait3A_342 = arith.constant 128 : i32
        %dma_wait3A_343 = tpu.memref_slice %arg6[%dma_wait3A_340, %dma_wait3A_341, %dma_wait3A_342] : memref<2x80x384xf32, #tpu.memory_space<vmem>> -> memref<1x80x128xf32, #tpu.memory_space<vmem>>
        %dma_wait3A_344 = tpu.memref_squeeze %dma_wait3A_343 : memref<1x80x128xf32, #tpu.memory_space<vmem>> -> memref<80x128xf32, #tpu.memory_space<vmem>>
        %dma_wait3A_345 = arith.constant 0 : i32
        %dma_wait3A_346 = tpu.memref_slice %arg4[%multiple_of3A_320, %dma_wait3A_345] : memref<204800x300xf32, #tpu.memory_space<hbm>> -> memref<80x300xf32, #tpu.memory_space<hbm>>
        %dma_wait3A_347 = arith.constant 0 : i32
        %dma_wait3A_348 = arith.constant 128 : i32
        %dma_wait3A_349 = tpu.memref_slice %dma_wait3A_346[%dma_wait3A_347, %dma_wait3A_348] : memref<80x300xf32, #tpu.memory_space<hbm>> -> memref<80x128xf32, #tpu.memory_space<hbm>>
        %dma_wait3A_350 = arith.constant 0 : i32
        %dma_wait3A_351 = tpu.memref_slice %arg4[%multiple_of3A_320, %dma_wait3A_350] : memref<204800x300xf32, #tpu.memory_space<hbm>> -> memref<80x300xf32, #tpu.memory_space<hbm>>
        %dma_wait3A_352 = arith.constant 0 : i32
        %dma_wait3A_353 = arith.constant 128 : i32
        %dma_wait3A_354 = tpu.memref_slice %dma_wait3A_351[%dma_wait3A_352, %dma_wait3A_353] : memref<80x300xf32, #tpu.memory_space<hbm>> -> memref<80x128xf32, #tpu.memory_space<hbm>>
        %dma_wait3A_355 = arith.constant 0 : i32
        %dma_wait3A_356 = arith.constant 128 : i32
        %dma_wait3A_357 = tpu.memref_slice %arg6[%dma_wait3A_340, %dma_wait3A_355, %dma_wait3A_356] : memref<2x80x384xf32, #tpu.memory_space<vmem>> -> memref<1x80x128xf32, #tpu.memory_space<vmem>>
        %dma_wait3A_358 = tpu.memref_squeeze %dma_wait3A_357 : memref<1x80x128xf32, #tpu.memory_space<vmem>> -> memref<80x128xf32, #tpu.memory_space<vmem>>
        tpu.wait_dma2 semaphore(%arg10 : memref<!tpu.dma_semaphore, #tpu.memory_space<semaphore_mem>>) src(%dma_wait3A_358 : memref<80x128xf32, #tpu.memory_space<vmem>>) dst(%dma_wait3A_354 : memref<80x128xf32, #tpu.memory_space<hbm>>)
        %dma_wait3A_359 = arith.constant 1 : i32
        %dma_wait3A_360 = arith.constant 0 : i32
        %dma_wait3A_361 = arith.constant 0 : i32
        %dma_wait3A_362 = tpu.memref_slice %arg7[%dma_wait3A_359, %dma_wait3A_360, %dma_wait3A_361] : memref<2x80x44xf32, #tpu.memory_space<vmem>> -> memref<1x80x44xf32, #tpu.memory_space<vmem>>
        %dma_wait3A_363 = tpu.memref_squeeze %dma_wait3A_362 : memref<1x80x44xf32, #tpu.memory_space<vmem>> -> memref<80x44xf32, #tpu.memory_space<vmem>>
        %dma_wait3A_364 = arith.constant 0 : i32
        %dma_wait3A_365 = tpu.memref_slice %arg4[%multiple_of3A_320, %dma_wait3A_364] : memref<204800x300xf32, #tpu.memory_space<hbm>> -> memref<80x300xf32, #tpu.memory_space<hbm>>
        %dma_wait3A_366 = arith.constant 0 : i32
        %dma_wait3A_367 = arith.constant 256 : i32
        %dma_wait3A_368 = tpu.memref_slice %dma_wait3A_365[%dma_wait3A_366, %dma_wait3A_367] : memref<80x300xf32, #tpu.memory_space<hbm>> -> memref<80x44xf32, #tpu.memory_space<hbm>>
        %dma_wait3A_369 = arith.constant 0 : i32
        %dma_wait3A_370 = tpu.memref_slice %arg4[%multiple_of3A_320, %dma_wait3A_369] : memref<204800x300xf32, #tpu.memory_space<hbm>> -> memref<80x300xf32, #tpu.memory_space<hbm>>
        %dma_wait3A_371 = arith.constant 0 : i32
        %dma_wait3A_372 = arith.constant 256 : i32
        %dma_wait3A_373 = tpu.memref_slice %dma_wait3A_370[%dma_wait3A_371, %dma_wait3A_372] : memref<80x300xf32, #tpu.memory_space<hbm>> -> memref<80x44xf32, #tpu.memory_space<hbm>>
        %dma_wait3A_374 = arith.constant 0 : i32
        %dma_wait3A_375 = arith.constant 0 : i32
        %dma_wait3A_376 = tpu.memref_slice %arg7[%dma_wait3A_359, %dma_wait3A_374, %dma_wait3A_375] : memref<2x80x44xf32, #tpu.memory_space<vmem>> -> memref<1x80x44xf32, #tpu.memory_space<vmem>>
        %dma_wait3A_377 = tpu.memref_squeeze %dma_wait3A_376 : memref<1x80x44xf32, #tpu.memory_space<vmem>> -> memref<80x44xf32, #tpu.memory_space<vmem>>
        tpu.wait_dma2 semaphore(%arg10 : memref<!tpu.dma_semaphore, #tpu.memory_space<semaphore_mem>>) src(%dma_wait3A_377 : memref<80x44xf32, #tpu.memory_space<vmem>>) dst(%dma_wait3A_373 : memref<80x44xf32, #tpu.memory_space<hbm>>)
      } else {
      }
      %dma_start3A_97 = arith.constant 1 : i32
      %dma_start3A_98 = arith.constant 0 : i32
      %dma_start3A_99 = arith.constant 0 : i32
      %dma_start3A_100 = tpu.memref_slice %arg6[%dma_start3A_97, %dma_start3A_98, %dma_start3A_99] : memref<2x80x384xf32, #tpu.memory_space<vmem>> -> memref<1x80x384xf32, #tpu.memory_space<vmem>>
      %dma_start3A_101 = tpu.memref_squeeze %dma_start3A_100 : memref<1x80x384xf32, #tpu.memory_space<vmem>> -> memref<80x384xf32, #tpu.memory_space<vmem>>
      %dma_start3A_102 = arith.constant 0 : i32
      %dma_start3A_103 = tpu.memref_slice %arg5[%add3A_82, %dma_start3A_102] : memref<80x80xi32, #tpu.memory_space<vmem>> -> memref<1x80xi32, #tpu.memory_space<vmem>>
      %dma_start3A_104 = tpu.memref_squeeze %dma_start3A_103 : memref<1x80xi32, #tpu.memory_space<vmem>> -> memref<80xi32, #tpu.memory_space<vmem>>
      %dma_start3A_105 = arith.constant 0 : i32
      %dma_start3A_106 = arith.constant 0 : i32
      %dma_start3A_107 = tpu.memref_slice %arg3[%dma_start3A_105, %dma_start3A_106] : memref<100000x384xf32, #tpu.memory_space<hbm>> -> memref<100000x384xf32, #tpu.memory_space<hbm>>
      tpu.enqueue_indirect_dma source(%dma_start3A_107 : memref<100000x384xf32, #tpu.memory_space<hbm>>) target(%dma_start3A_101 : memref<80x384xf32, #tpu.memory_space<vmem>>) offsets(%dma_start3A_104 : memref<80xi32, #tpu.memory_space<vmem>>) semaphore(%arg8 : memref<!tpu.dma_semaphore, #tpu.memory_space<semaphore_mem>>)
      %scan3A_108 = arith.constant 0 : i32
      %scan3A_109 = arith.constant 0 : i32
      %scan3A_110 = arith.constant 80 : i32
      %scan3A_111 = arith.addi %scan3A_109, %scan3A_110 : i32
      %scan3A_112 = arith.constant 4 : i32
      scf.for %scan3A_318 = %scan3A_109 to %scan3A_111 step %scan3A_112  : i32 {
        %get3A = arith.constant 0 : i32
        %get3A_319 = arith.index_cast %get3A : i32 to index
        %get3A_320 = arith.index_cast %scan3A_318 : i32 to index
        %get3A_321 = arith.constant 256 : index
        %get3A_322 = tpu.vector_load %arg6[%get3A_319, %get3A_320, %get3A_321] {strides = array<i32>} : memref<2x80x384xf32, #tpu.memory_space<vmem>>, vector<1x1x16xf32>,
        %get3A_323 = vector.shape_cast %get3A_322 : vector<1x1x16xf32> to vector<16xf32>
        %swap3A = arith.constant 0 : i32
        %swap3A_324 = arith.index_cast %swap3A : i32 to index
        %swap3A_325 = arith.index_cast %scan3A_318 : i32 to index
        %swap3A_326 = arith.constant 0 : index
        %swap3A_327 = tpu.vector_load %arg7[%swap3A_324, %swap3A_325, %swap3A_326] {strides = array<i32>} : memref<2x80x44xf32, #tpu.memory_space<vmem>>, vector<1x1x16xf32>,
        %swap3A_328 = vector.shape_cast %swap3A_327 : vector<1x1x16xf32> to vector<16xf32>
        %swap3A_329 = vector.shape_cast %get3A_323 : vector<16xf32> to vector<1x1x16xf32>
        tpu.vector_store %arg7[%swap3A_324, %swap3A_325, %swap3A_326], %swap3A_329 {strides = array<i32>} : memref<2x80x44xf32, #tpu.memory_space<vmem>>, vector<1x1x16xf32>,
        %get3A_330 = arith.constant 0 : i32
        %get3A_331 = arith.index_cast %get3A_330 : i32 to index
        %get3A_332 = arith.index_cast %scan3A_318 : i32 to index
        %get3A_333 = arith.constant 272 : index
        %get3A_334 = tpu.vector_load %arg6[%get3A_331, %get3A_332, %get3A_333] {strides = array<i32>} : memref<2x80x384xf32, #tpu.memory_space<vmem>>, vector<1x1x16xf32>,
        %get3A_335 = vector.shape_cast %get3A_334 : vector<1x1x16xf32> to vector<16xf32>
        %swap3A_336 = arith.constant 0 : i32
        %swap3A_337 = arith.index_cast %swap3A_336 : i32 to index
        %swap3A_338 = arith.index_cast %scan3A_318 : i32 to index
        %swap3A_339 = arith.constant 16 : index
        %swap3A_340 = tpu.vector_load %arg7[%swap3A_337, %swap3A_338, %swap3A_339] {strides = array<i32>} : memref<2x80x44xf32, #tpu.memory_space<vmem>>, vector<1x1x16xf32>,
        %swap3A_341 = vector.shape_cast %swap3A_340 : vector<1x1x16xf32> to vector<16xf32>
        %swap3A_342 = vector.shape_cast %get3A_335 : vector<16xf32> to vector<1x1x16xf32>
        tpu.vector_store %arg7[%swap3A_337, %swap3A_338, %swap3A_339], %swap3A_342 {strides = array<i32>} : memref<2x80x44xf32, #tpu.memory_space<vmem>>, vector<1x1x16xf32>,
        %get3A_343 = arith.constant 0 : i32
        %get3A_344 = arith.index_cast %get3A_343 : i32 to index
        %get3A_345 = arith.index_cast %scan3A_318 : i32 to index
        %get3A_346 = arith.constant 284 : index
        %get3A_347 = tpu.vector_load %arg6[%get3A_344, %get3A_345, %get3A_346] {strides = array<i32>} : memref<2x80x384xf32, #tpu.memory_space<vmem>>, vector<1x1x16xf32>,
        %get3A_348 = vector.shape_cast %get3A_347 : vector<1x1x16xf32> to vector<16xf32>
        %swap3A_349 = arith.constant 0 : i32
        %swap3A_350 = arith.index_cast %swap3A_349 : i32 to index
        %swap3A_351 = arith.index_cast %scan3A_318 : i32 to index
        %swap3A_352 = arith.constant 28 : index
        %swap3A_353 = tpu.vector_load %arg7[%swap3A_350, %swap3A_351, %swap3A_352] {strides = array<i32>} : memref<2x80x44xf32, #tpu.memory_space<vmem>>, vector<1x1x16xf32>,
        %swap3A_354 = vector.shape_cast %swap3A_353 : vector<1x1x16xf32> to vector<16xf32>
        %swap3A_355 = vector.shape_cast %get3A_348 : vector<16xf32> to vector<1x1x16xf32>
        tpu.vector_store %arg7[%swap3A_350, %swap3A_351, %swap3A_352], %swap3A_355 {strides = array<i32>} : memref<2x80x44xf32, #tpu.memory_space<vmem>>, vector<1x1x16xf32>,
        %scan3A_356 = arith.constant 1 : i32
        %scan3A_357 = arith.addi %scan3A_318, %scan3A_356 : i32
        %get3A_358 = arith.constant 0 : i32
        %get3A_359 = arith.index_cast %get3A_358 : i32 to index
        %get3A_360 = arith.index_cast %scan3A_357 : i32 to index
        %get3A_361 = arith.constant 256 : index
        %get3A_362 = tpu.vector_load %arg6[%get3A_359, %get3A_360, %get3A_361] {strides = array<i32>} : memref<2x80x384xf32, #tpu.memory_space<vmem>>, vector<1x1x16xf32>,
        %get3A_363 = vector.shape_cast %get3A_362 : vector<1x1x16xf32> to vector<16xf32>
        %swap3A_364 = arith.constant 0 : i32
        %swap3A_365 = arith.index_cast %swap3A_364 : i32 to index
        %swap3A_366 = arith.index_cast %scan3A_357 : i32 to index
        %swap3A_367 = arith.constant 0 : index
        %swap3A_368 = tpu.vector_load %arg7[%swap3A_365, %swap3A_366, %swap3A_367] {strides = array<i32>} : memref<2x80x44xf32, #tpu.memory_space<vmem>>, vector<1x1x16xf32>,
        %swap3A_369 = vector.shape_cast %swap3A_368 : vector<1x1x16xf32> to vector<16xf32>
        %swap3A_370 = vector.shape_cast %get3A_363 : vector<16xf32> to vector<1x1x16xf32>
        tpu.vector_store %arg7[%swap3A_365, %swap3A_366, %swap3A_367], %swap3A_370 {strides = array<i32>} : memref<2x80x44xf32, #tpu.memory_space<vmem>>, vector<1x1x16xf32>,
        %get3A_371 = arith.constant 0 : i32
        %get3A_372 = arith.index_cast %get3A_371 : i32 to index
        %get3A_373 = arith.index_cast %scan3A_357 : i32 to index
        %get3A_374 = arith.constant 272 : index
        %get3A_375 = tpu.vector_load %arg6[%get3A_372, %get3A_373, %get3A_374] {strides = array<i32>} : memref<2x80x384xf32, #tpu.memory_space<vmem>>, vector<1x1x16xf32>,
        %get3A_376 = vector.shape_cast %get3A_375 : vector<1x1x16xf32> to vector<16xf32>
        %swap3A_377 = arith.constant 0 : i32
        %swap3A_378 = arith.index_cast %swap3A_377 : i32 to index
        %swap3A_379 = arith.index_cast %scan3A_357 : i32 to index
        %swap3A_380 = arith.constant 16 : index
        %swap3A_381 = tpu.vector_load %arg7[%swap3A_378, %swap3A_379, %swap3A_380] {strides = array<i32>} : memref<2x80x44xf32, #tpu.memory_space<vmem>>, vector<1x1x16xf32>,
        %swap3A_382 = vector.shape_cast %swap3A_381 : vector<1x1x16xf32> to vector<16xf32>
        %swap3A_383 = vector.shape_cast %get3A_376 : vector<16xf32> to vector<1x1x16xf32>
        tpu.vector_store %arg7[%swap3A_378, %swap3A_379, %swap3A_380], %swap3A_383 {strides = array<i32>} : memref<2x80x44xf32, #tpu.memory_space<vmem>>, vector<1x1x16xf32>,
        %get3A_384 = arith.constant 0 : i32
        %get3A_385 = arith.index_cast %get3A_384 : i32 to index
        %get3A_386 = arith.index_cast %scan3A_357 : i32 to index
        %get3A_387 = arith.constant 284 : index
        %get3A_388 = tpu.vector_load %arg6[%get3A_385, %get3A_386, %get3A_387] {strides = array<i32>} : memref<2x80x384xf32, #tpu.memory_space<vmem>>, vector<1x1x16xf32>,
        %get3A_389 = vector.shape_cast %get3A_388 : vector<1x1x16xf32> to vector<16xf32>
        %swap3A_390 = arith.constant 0 : i32
        %swap3A_391 = arith.index_cast %swap3A_390 : i32 to index
        %swap3A_392 = arith.index_cast %scan3A_357 : i32 to index
        %swap3A_393 = arith.constant 28 : index
        %swap3A_394 = tpu.vector_load %arg7[%swap3A_391, %swap3A_392, %swap3A_393] {strides = array<i32>} : memref<2x80x44xf32, #tpu.memory_space<vmem>>, vector<1x1x16xf32>,
        %swap3A_395 = vector.shape_cast %swap3A_394 : vector<1x1x16xf32> to vector<16xf32>
        %swap3A_396 = vector.shape_cast %get3A_389 : vector<16xf32> to vector<1x1x16xf32>
        tpu.vector_store %arg7[%swap3A_391, %swap3A_392, %swap3A_393], %swap3A_396 {strides = array<i32>} : memref<2x80x44xf32, #tpu.memory_space<vmem>>, vector<1x1x16xf32>,
        %scan3A_397 = arith.constant 2 : i32
        %scan3A_398 = arith.addi %scan3A_318, %scan3A_397 : i32
        %get3A_399 = arith.constant 0 : i32
        %get3A_400 = arith.index_cast %get3A_399 : i32 to index
        %get3A_401 = arith.index_cast %scan3A_398 : i32 to index
        %get3A_402 = arith.constant 256 : index
        %get3A_403 = tpu.vector_load %arg6[%get3A_400, %get3A_401, %get3A_402] {strides = array<i32>} : memref<2x80x384xf32, #tpu.memory_space<vmem>>, vector<1x1x16xf32>,
        %get3A_404 = vector.shape_cast %get3A_403 : vector<1x1x16xf32> to vector<16xf32>
        %swap3A_405 = arith.constant 0 : i32
        %swap3A_406 = arith.index_cast %swap3A_405 : i32 to index
        %swap3A_407 = arith.index_cast %scan3A_398 : i32 to index
        %swap3A_408 = arith.constant 0 : index
        %swap3A_409 = tpu.vector_load %arg7[%swap3A_406, %swap3A_407, %swap3A_408] {strides = array<i32>} : memref<2x80x44xf32, #tpu.memory_space<vmem>>, vector<1x1x16xf32>,
        %swap3A_410 = vector.shape_cast %swap3A_409 : vector<1x1x16xf32> to vector<16xf32>
        %swap3A_411 = vector.shape_cast %get3A_404 : vector<16xf32> to vector<1x1x16xf32>
        tpu.vector_store %arg7[%swap3A_406, %swap3A_407, %swap3A_408], %swap3A_411 {strides = array<i32>} : memref<2x80x44xf32, #tpu.memory_space<vmem>>, vector<1x1x16xf32>,
        %get3A_412 = arith.constant 0 : i32
        %get3A_413 = arith.index_cast %get3A_412 : i32 to index
        %get3A_414 = arith.index_cast %scan3A_398 : i32 to index
        %get3A_415 = arith.constant 272 : index
        %get3A_416 = tpu.vector_load %arg6[%get3A_413, %get3A_414, %get3A_415] {strides = array<i32>} : memref<2x80x384xf32, #tpu.memory_space<vmem>>, vector<1x1x16xf32>,
        %get3A_417 = vector.shape_cast %get3A_416 : vector<1x1x16xf32> to vector<16xf32>
        %swap3A_418 = arith.constant 0 : i32
        %swap3A_419 = arith.index_cast %swap3A_418 : i32 to index
        %swap3A_420 = arith.index_cast %scan3A_398 : i32 to index
        %swap3A_421 = arith.constant 16 : index
        %swap3A_422 = tpu.vector_load %arg7[%swap3A_419, %swap3A_420, %swap3A_421] {strides = array<i32>} : memref<2x80x44xf32, #tpu.memory_space<vmem>>, vector<1x1x16xf32>,
        %swap3A_423 = vector.shape_cast %swap3A_422 : vector<1x1x16xf32> to vector<16xf32>
        %swap3A_424 = vector.shape_cast %get3A_417 : vector<16xf32> to vector<1x1x16xf32>
        tpu.vector_store %arg7[%swap3A_419, %swap3A_420, %swap3A_421], %swap3A_424 {strides = array<i32>} : memref<2x80x44xf32, #tpu.memory_space<vmem>>, vector<1x1x16xf32>,
        %get3A_425 = arith.constant 0 : i32
        %get3A_426 = arith.index_cast %get3A_425 : i32 to index
        %get3A_427 = arith.index_cast %scan3A_398 : i32 to index
        %get3A_428 = arith.constant 284 : index
        %get3A_429 = tpu.vector_load %arg6[%get3A_426, %get3A_427, %get3A_428] {strides = array<i32>} : memref<2x80x384xf32, #tpu.memory_space<vmem>>, vector<1x1x16xf32>,
        %get3A_430 = vector.shape_cast %get3A_429 : vector<1x1x16xf32> to vector<16xf32>
        %swap3A_431 = arith.constant 0 : i32
        %swap3A_432 = arith.index_cast %swap3A_431 : i32 to index
        %swap3A_433 = arith.index_cast %scan3A_398 : i32 to index
        %swap3A_434 = arith.constant 28 : index
        %swap3A_435 = tpu.vector_load %arg7[%swap3A_432, %swap3A_433, %swap3A_434] {strides = array<i32>} : memref<2x80x44xf32, #tpu.memory_space<vmem>>, vector<1x1x16xf32>,
        %swap3A_436 = vector.shape_cast %swap3A_435 : vector<1x1x16xf32> to vector<16xf32>
        %swap3A_437 = vector.shape_cast %get3A_430 : vector<16xf32> to vector<1x1x16xf32>
        tpu.vector_store %arg7[%swap3A_432, %swap3A_433, %swap3A_434], %swap3A_437 {strides = array<i32>} : memref<2x80x44xf32, #tpu.memory_space<vmem>>, vector<1x1x16xf32>,
        %scan3A_438 = arith.constant 3 : i32
        %scan3A_439 = arith.addi %scan3A_318, %scan3A_438 : i32
        %get3A_440 = arith.constant 0 : i32
        %get3A_441 = arith.index_cast %get3A_440 : i32 to index
        %get3A_442 = arith.index_cast %scan3A_439 : i32 to index
        %get3A_443 = arith.constant 256 : index
        %get3A_444 = tpu.vector_load %arg6[%get3A_441, %get3A_442, %get3A_443] {strides = array<i32>} : memref<2x80x384xf32, #tpu.memory_space<vmem>>, vector<1x1x16xf32>,
        %get3A_445 = vector.shape_cast %get3A_444 : vector<1x1x16xf32> to vector<16xf32>
        %swap3A_446 = arith.constant 0 : i32
        %swap3A_447 = arith.index_cast %swap3A_446 : i32 to index
        %swap3A_448 = arith.index_cast %scan3A_439 : i32 to index
        %swap3A_449 = arith.constant 0 : index
        %swap3A_450 = tpu.vector_load %arg7[%swap3A_447, %swap3A_448, %swap3A_449] {strides = array<i32>} : memref<2x80x44xf32, #tpu.memory_space<vmem>>, vector<1x1x16xf32>,
        %swap3A_451 = vector.shape_cast %swap3A_450 : vector<1x1x16xf32> to vector<16xf32>
        %swap3A_452 = vector.shape_cast %get3A_445 : vector<16xf32> to vector<1x1x16xf32>
        tpu.vector_store %arg7[%swap3A_447, %swap3A_448, %swap3A_449], %swap3A_452 {strides = array<i32>} : memref<2x80x44xf32, #tpu.memory_space<vmem>>, vector<1x1x16xf32>,
        %get3A_453 = arith.constant 0 : i32
        %get3A_454 = arith.index_cast %get3A_453 : i32 to index
        %get3A_455 = arith.index_cast %scan3A_439 : i32 to index
        %get3A_456 = arith.constant 272 : index
        %get3A_457 = tpu.vector_load %arg6[%get3A_454, %get3A_455, %get3A_456] {strides = array<i32>} : memref<2x80x384xf32, #tpu.memory_space<vmem>>, vector<1x1x16xf32>,
        %get3A_458 = vector.shape_cast %get3A_457 : vector<1x1x16xf32> to vector<16xf32>
        %swap3A_459 = arith.constant 0 : i32
        %swap3A_460 = arith.index_cast %swap3A_459 : i32 to index
        %swap3A_461 = arith.index_cast %scan3A_439 : i32 to index
        %swap3A_462 = arith.constant 16 : index
        %swap3A_463 = tpu.vector_load %arg7[%swap3A_460, %swap3A_461, %swap3A_462] {strides = array<i32>} : memref<2x80x44xf32, #tpu.memory_space<vmem>>, vector<1x1x16xf32>,
        %swap3A_464 = vector.shape_cast %swap3A_463 : vector<1x1x16xf32> to vector<16xf32>
        %swap3A_465 = vector.shape_cast %get3A_458 : vector<16xf32> to vector<1x1x16xf32>
        tpu.vector_store %arg7[%swap3A_460, %swap3A_461, %swap3A_462], %swap3A_465 {strides = array<i32>} : memref<2x80x44xf32, #tpu.memory_space<vmem>>, vector<1x1x16xf32>,
        %get3A_466 = arith.constant 0 : i32
        %get3A_467 = arith.index_cast %get3A_466 : i32 to index
        %get3A_468 = arith.index_cast %scan3A_439 : i32 to index
        %get3A_469 = arith.constant 284 : index
        %get3A_470 = tpu.vector_load %arg6[%get3A_467, %get3A_468, %get3A_469] {strides = array<i32>} : memref<2x80x384xf32, #tpu.memory_space<vmem>>, vector<1x1x16xf32>,
        %get3A_471 = vector.shape_cast %get3A_470 : vector<1x1x16xf32> to vector<16xf32>
        %swap3A_472 = arith.constant 0 : i32
        %swap3A_473 = arith.index_cast %swap3A_472 : i32 to index
        %swap3A_474 = arith.index_cast %scan3A_439 : i32 to index
        %swap3A_475 = arith.constant 28 : index
        %swap3A_476 = tpu.vector_load %arg7[%swap3A_473, %swap3A_474, %swap3A_475] {strides = array<i32>} : memref<2x80x44xf32, #tpu.memory_space<vmem>>, vector<1x1x16xf32>,
        %swap3A_477 = vector.shape_cast %swap3A_476 : vector<1x1x16xf32> to vector<16xf32>
        %swap3A_478 = vector.shape_cast %get3A_471 : vector<16xf32> to vector<1x1x16xf32>
        tpu.vector_store %arg7[%swap3A_473, %swap3A_474, %swap3A_475], %swap3A_478 {strides = array<i32>} : memref<2x80x44xf32, #tpu.memory_space<vmem>>, vector<1x1x16xf32>,
      }
      %scan3A_113 = arith.constant 80 : i32
      %mul3A_114 = arith.constant 80 : i32
      %mul3A_115 = arith.muli %mul3A_80, %mul3A_114 : i32
      %add3A_116 = arith.addi %multiple_of3A, %mul3A_115 : i32
      %multiple_of3A_117 = tpu.assume_multiple %add3A_116, 8 : i32
      %dma_start3A_118 = arith.constant 0 : i32
      %dma_start3A_119 = arith.constant 0 : i32
      %dma_start3A_120 = arith.constant 0 : i32
      %dma_start3A_121 = tpu.memref_slice %arg6[%dma_start3A_118, %dma_start3A_119, %dma_start3A_120] : memref<2x80x384xf32, #tpu.memory_space<vmem>> -> memref<1x80x128xf32, #tpu.memory_space<vmem>>
      %dma_start3A_122 = tpu.memref_squeeze %dma_start3A_121 : memref<1x80x128xf32, #tpu.memory_space<vmem>> -> memref<80x128xf32, #tpu.memory_space<vmem>>
      %dma_start3A_123 = arith.constant 0 : i32
      %dma_start3A_124 = tpu.memref_slice %arg4[%multiple_of3A_117, %dma_start3A_123] : memref<204800x300xf32, #tpu.memory_space<hbm>> -> memref<80x300xf32, #tpu.memory_space<hbm>>
      %dma_start3A_125 = arith.constant 0 : i32
      %dma_start3A_126 = arith.constant 0 : i32
      %dma_start3A_127 = tpu.memref_slice %dma_start3A_124[%dma_start3A_125, %dma_start3A_126] : memref<80x300xf32, #tpu.memory_space<hbm>> -> memref<80x128xf32, #tpu.memory_space<hbm>>
      %dma_start3A_128 = arith.constant 0 : i32
      %dma_start3A_129 = tpu.memref_slice %arg4[%multiple_of3A_117, %dma_start3A_128] : memref<204800x300xf32, #tpu.memory_space<hbm>> -> memref<80x300xf32, #tpu.memory_space<hbm>>
      %dma_start3A_130 = arith.constant 0 : i32
      %dma_start3A_131 = arith.constant 0 : i32
      %dma_start3A_132 = tpu.memref_slice %dma_start3A_129[%dma_start3A_130, %dma_start3A_131] : memref<80x300xf32, #tpu.memory_space<hbm>> -> memref<80x128xf32, #tpu.memory_space<hbm>>
      %dma_start3A_133 = arith.constant 0 : i32
      %dma_start3A_134 = arith.constant 0 : i32
      %dma_start3A_135 = tpu.memref_slice %arg6[%dma_start3A_118, %dma_start3A_133, %dma_start3A_134] : memref<2x80x384xf32, #tpu.memory_space<vmem>> -> memref<1x80x128xf32, #tpu.memory_space<vmem>>
      %dma_start3A_136 = tpu.memref_squeeze %dma_start3A_135 : memref<1x80x128xf32, #tpu.memory_space<vmem>> -> memref<80x128xf32, #tpu.memory_space<vmem>>
      tpu.enqueue_dma source(%dma_start3A_136 : memref<80x128xf32, #tpu.memory_space<vmem>>) target(%dma_start3A_132 : memref<80x128xf32, #tpu.memory_space<hbm>>) target_semaphore(%arg9 : memref<!tpu.dma_semaphore, #tpu.memory_space<semaphore_mem>>)
      %dma_start3A_137 = arith.constant 0 : i32
      %dma_start3A_138 = arith.constant 0 : i32
      %dma_start3A_139 = arith.constant 128 : i32
      %dma_start3A_140 = tpu.memref_slice %arg6[%dma_start3A_137, %dma_start3A_138, %dma_start3A_139] : memref<2x80x384xf32, #tpu.memory_space<vmem>> -> memref<1x80x128xf32, #tpu.memory_space<vmem>>
      %dma_start3A_141 = tpu.memref_squeeze %dma_start3A_140 : memref<1x80x128xf32, #tpu.memory_space<vmem>> -> memref<80x128xf32, #tpu.memory_space<vmem>>
      %dma_start3A_142 = arith.constant 0 : i32
      %dma_start3A_143 = tpu.memref_slice %arg4[%multiple_of3A_117, %dma_start3A_142] : memref<204800x300xf32, #tpu.memory_space<hbm>> -> memref<80x300xf32, #tpu.memory_space<hbm>>
      %dma_start3A_144 = arith.constant 0 : i32
      %dma_start3A_145 = arith.constant 128 : i32
      %dma_start3A_146 = tpu.memref_slice %dma_start3A_143[%dma_start3A_144, %dma_start3A_145] : memref<80x300xf32, #tpu.memory_space<hbm>> -> memref<80x128xf32, #tpu.memory_space<hbm>>
      %dma_start3A_147 = arith.constant 0 : i32
      %dma_start3A_148 = tpu.memref_slice %arg4[%multiple_of3A_117, %dma_start3A_147] : memref<204800x300xf32, #tpu.memory_space<hbm>> -> memref<80x300xf32, #tpu.memory_space<hbm>>
      %dma_start3A_149 = arith.constant 0 : i32
      %dma_start3A_150 = arith.constant 128 : i32
      %dma_start3A_151 = tpu.memref_slice %dma_start3A_148[%dma_start3A_149, %dma_start3A_150] : memref<80x300xf32, #tpu.memory_space<hbm>> -> memref<80x128xf32, #tpu.memory_space<hbm>>
      %dma_start3A_152 = arith.constant 0 : i32
      %dma_start3A_153 = arith.constant 128 : i32
      %dma_start3A_154 = tpu.memref_slice %arg6[%dma_start3A_137, %dma_start3A_152, %dma_start3A_153] : memref<2x80x384xf32, #tpu.memory_space<vmem>> -> memref<1x80x128xf32, #tpu.memory_space<vmem>>
      %dma_start3A_155 = tpu.memref_squeeze %dma_start3A_154 : memref<1x80x128xf32, #tpu.memory_space<vmem>> -> memref<80x128xf32, #tpu.memory_space<vmem>>
      tpu.enqueue_dma source(%dma_start3A_155 : memref<80x128xf32, #tpu.memory_space<vmem>>) target(%dma_start3A_151 : memref<80x128xf32, #tpu.memory_space<hbm>>) target_semaphore(%arg9 : memref<!tpu.dma_semaphore, #tpu.memory_space<semaphore_mem>>)
      %dma_start3A_156 = arith.constant 0 : i32
      %dma_start3A_157 = arith.constant 0 : i32
      %dma_start3A_158 = arith.constant 0 : i32
      %dma_start3A_159 = tpu.memref_slice %arg7[%dma_start3A_156, %dma_start3A_157, %dma_start3A_158] : memref<2x80x44xf32, #tpu.memory_space<vmem>> -> memref<1x80x44xf32, #tpu.memory_space<vmem>>
      %dma_start3A_160 = tpu.memref_squeeze %dma_start3A_159 : memref<1x80x44xf32, #tpu.memory_space<vmem>> -> memref<80x44xf32, #tpu.memory_space<vmem>>
      %dma_start3A_161 = arith.constant 0 : i32
      %dma_start3A_162 = tpu.memref_slice %arg4[%multiple_of3A_117, %dma_start3A_161] : memref<204800x300xf32, #tpu.memory_space<hbm>> -> memref<80x300xf32, #tpu.memory_space<hbm>>
      %dma_start3A_163 = arith.constant 0 : i32
      %dma_start3A_164 = arith.constant 256 : i32
      %dma_start3A_165 = tpu.memref_slice %dma_start3A_162[%dma_start3A_163, %dma_start3A_164] : memref<80x300xf32, #tpu.memory_space<hbm>> -> memref<80x44xf32, #tpu.memory_space<hbm>>
      %dma_start3A_166 = arith.constant 0 : i32
      %dma_start3A_167 = tpu.memref_slice %arg4[%multiple_of3A_117, %dma_start3A_166] : memref<204800x300xf32, #tpu.memory_space<hbm>> -> memref<80x300xf32, #tpu.memory_space<hbm>>
      %dma_start3A_168 = arith.constant 0 : i32
      %dma_start3A_169 = arith.constant 256 : i32
      %dma_start3A_170 = tpu.memref_slice %dma_start3A_167[%dma_start3A_168, %dma_start3A_169] : memref<80x300xf32, #tpu.memory_space<hbm>> -> memref<80x44xf32, #tpu.memory_space<hbm>>
      %dma_start3A_171 = arith.constant 0 : i32
      %dma_start3A_172 = arith.constant 0 : i32
      %dma_start3A_173 = tpu.memref_slice %arg7[%dma_start3A_156, %dma_start3A_171, %dma_start3A_172] : memref<2x80x44xf32, #tpu.memory_space<vmem>> -> memref<1x80x44xf32, #tpu.memory_space<vmem>>
      %dma_start3A_174 = tpu.memref_squeeze %dma_start3A_173 : memref<1x80x44xf32, #tpu.memory_space<vmem>> -> memref<80x44xf32, #tpu.memory_space<vmem>>
      tpu.enqueue_dma source(%dma_start3A_174 : memref<80x44xf32, #tpu.memory_space<vmem>>) target(%dma_start3A_170 : memref<80x44xf32, #tpu.memory_space<hbm>>) target_semaphore(%arg9 : memref<!tpu.dma_semaphore, #tpu.memory_space<semaphore_mem>>)
      %dma_wait3A_175 = arith.constant 0 : i32
      %dma_wait3A_176 = arith.constant 1 : i32
      %dma_wait3A_177 = arith.constant 0 : i32
      %dma_wait3A_178 = arith.constant 0 : i32
      %dma_wait3A_179 = tpu.memref_slice %arg6[%dma_wait3A_176, %dma_wait3A_177, %dma_wait3A_178] : memref<2x80x384xf32, #tpu.memory_space<vmem>> -> memref<1x80x384xf32, #tpu.memory_space<vmem>>
      %dma_wait3A_180 = tpu.memref_squeeze %dma_wait3A_179 : memref<1x80x384xf32, #tpu.memory_space<vmem>> -> memref<80x384xf32, #tpu.memory_space<vmem>>
      %dma_wait3A_181 = arith.constant 0 : i32
      %dma_wait3A_182 = tpu.memref_slice %arg5[%dma_wait3A_175, %dma_wait3A_181] : memref<80x80xi32, #tpu.memory_space<vmem>> -> memref<1x80xi32, #tpu.memory_space<vmem>>
      %dma_wait3A_183 = tpu.memref_squeeze %dma_wait3A_182 : memref<1x80xi32, #tpu.memory_space<vmem>> -> memref<80xi32, #tpu.memory_space<vmem>>
      %dma_wait3A_184 = arith.constant 0 : i32
      %dma_wait3A_185 = arith.constant 0 : i32
      %dma_wait3A_186 = tpu.memref_slice %arg3[%dma_wait3A_184, %dma_wait3A_185] : memref<100000x384xf32, #tpu.memory_space<hbm>> -> memref<100000x384xf32, #tpu.memory_space<hbm>>
      tpu.wait_indirect_dma semaphore(%arg8 : memref<!tpu.dma_semaphore, #tpu.memory_space<semaphore_mem>>) src(%dma_wait3A_186 : memref<100000x384xf32, #tpu.memory_space<hbm>>) dst(%dma_wait3A_180 : memref<80x384xf32, #tpu.memory_space<vmem>>)
      %add3A_187 = arith.constant 0 : i32
      %add3A_188 = arith.addi %multiple_of3A, %add3A_187 : i32
      %multiple_of3A_189 = tpu.assume_multiple %add3A_188, 8 : i32
      %dma_wait3A_190 = arith.constant 0 : i32
      %dma_wait3A_191 = arith.constant 0 : i32
      %dma_wait3A_192 = arith.constant 0 : i32
      %dma_wait3A_193 = tpu.memref_slice %arg6[%dma_wait3A_190, %dma_wait3A_191, %dma_wait3A_192] : memref<2x80x384xf32, #tpu.memory_space<vmem>> -> memref<1x80x128xf32, #tpu.memory_space<vmem>>
      %dma_wait3A_194 = tpu.memref_squeeze %dma_wait3A_193 : memref<1x80x128xf32, #tpu.memory_space<vmem>> -> memref<80x128xf32, #tpu.memory_space<vmem>>
      %dma_wait3A_195 = arith.constant 0 : i32
      %dma_wait3A_196 = tpu.memref_slice %arg4[%multiple_of3A_189, %dma_wait3A_195] : memref<204800x300xf32, #tpu.memory_space<hbm>> -> memref<80x300xf32, #tpu.memory_space<hbm>>
      %dma_wait3A_197 = arith.constant 0 : i32
      %dma_wait3A_198 = arith.constant 0 : i32
      %dma_wait3A_199 = tpu.memref_slice %dma_wait3A_196[%dma_wait3A_197, %dma_wait3A_198] : memref<80x300xf32, #tpu.memory_space<hbm>> -> memref<80x128xf32, #tpu.memory_space<hbm>>
      %dma_wait3A_200 = arith.constant 0 : i32
      %dma_wait3A_201 = tpu.memref_slice %arg4[%multiple_of3A_189, %dma_wait3A_200] : memref<204800x300xf32, #tpu.memory_space<hbm>> -> memref<80x300xf32, #tpu.memory_space<hbm>>
      %dma_wait3A_202 = arith.constant 0 : i32
      %dma_wait3A_203 = arith.constant 0 : i32
      %dma_wait3A_204 = tpu.memref_slice %dma_wait3A_201[%dma_wait3A_202, %dma_wait3A_203] : memref<80x300xf32, #tpu.memory_space<hbm>> -> memref<80x128xf32, #tpu.memory_space<hbm>>
      %dma_wait3A_205 = arith.constant 0 : i32
      %dma_wait3A_206 = arith.constant 0 : i32
      %dma_wait3A_207 = tpu.memref_slice %arg6[%dma_wait3A_190, %dma_wait3A_205, %dma_wait3A_206] : memref<2x80x384xf32, #tpu.memory_space<vmem>> -> memref<1x80x128xf32, #tpu.memory_space<vmem>>
      %dma_wait3A_208 = tpu.memref_squeeze %dma_wait3A_207 : memref<1x80x128xf32, #tpu.memory_space<vmem>> -> memref<80x128xf32, #tpu.memory_space<vmem>>
      tpu.wait_dma2 semaphore(%arg9 : memref<!tpu.dma_semaphore, #tpu.memory_space<semaphore_mem>>) src(%dma_wait3A_208 : memref<80x128xf32, #tpu.memory_space<vmem>>) dst(%dma_wait3A_204 : memref<80x128xf32, #tpu.memory_space<hbm>>)
      %dma_wait3A_209 = arith.constant 0 : i32
      %dma_wait3A_210 = arith.constant 0 : i32
      %dma_wait3A_211 = arith.constant 128 : i32
      %dma_wait3A_212 = tpu.memref_slice %arg6[%dma_wait3A_209, %dma_wait3A_210, %dma_wait3A_211] : memref<2x80x384xf32, #tpu.memory_space<vmem>> -> memref<1x80x128xf32, #tpu.memory_space<vmem>>
      %dma_wait3A_213 = tpu.memref_squeeze %dma_wait3A_212 : memref<1x80x128xf32, #tpu.memory_space<vmem>> -> memref<80x128xf32, #tpu.memory_space<vmem>>
      %dma_wait3A_214 = arith.constant 0 : i32
      %dma_wait3A_215 = tpu.memref_slice %arg4[%multiple_of3A_189, %dma_wait3A_214] : memref<204800x300xf32, #tpu.memory_space<hbm>> -> memref<80x300xf32, #tpu.memory_space<hbm>>
      %dma_wait3A_216 = arith.constant 0 : i32
      %dma_wait3A_217 = arith.constant 128 : i32
      %dma_wait3A_218 = tpu.memref_slice %dma_wait3A_215[%dma_wait3A_216, %dma_wait3A_217] : memref<80x300xf32, #tpu.memory_space<hbm>> -> memref<80x128xf32, #tpu.memory_space<hbm>>
      %dma_wait3A_219 = arith.constant 0 : i32
      %dma_wait3A_220 = tpu.memref_slice %arg4[%multiple_of3A_189, %dma_wait3A_219] : memref<204800x300xf32, #tpu.memory_space<hbm>> -> memref<80x300xf32, #tpu.memory_space<hbm>>
      %dma_wait3A_221 = arith.constant 0 : i32
      %dma_wait3A_222 = arith.constant 128 : i32
      %dma_wait3A_223 = tpu.memref_slice %dma_wait3A_220[%dma_wait3A_221, %dma_wait3A_222] : memref<80x300xf32, #tpu.memory_space<hbm>> -> memref<80x128xf32, #tpu.memory_space<hbm>>
      %dma_wait3A_224 = arith.constant 0 : i32
      %dma_wait3A_225 = arith.constant 128 : i32
      %dma_wait3A_226 = tpu.memref_slice %arg6[%dma_wait3A_209, %dma_wait3A_224, %dma_wait3A_225] : memref<2x80x384xf32, #tpu.memory_space<vmem>> -> memref<1x80x128xf32, #tpu.memory_space<vmem>>
      %dma_wait3A_227 = tpu.memref_squeeze %dma_wait3A_226 : memref<1x80x128xf32, #tpu.memory_space<vmem>> -> memref<80x128xf32, #tpu.memory_space<vmem>>
      tpu.wait_dma2 semaphore(%arg9 : memref<!tpu.dma_semaphore, #tpu.memory_space<semaphore_mem>>) src(%dma_wait3A_227 : memref<80x128xf32, #tpu.memory_space<vmem>>) dst(%dma_wait3A_223 : memref<80x128xf32, #tpu.memory_space<hbm>>)
      %dma_wait3A_228 = arith.constant 0 : i32
      %dma_wait3A_229 = arith.constant 0 : i32
      %dma_wait3A_230 = arith.constant 0 : i32
      %dma_wait3A_231 = tpu.memref_slice %arg7[%dma_wait3A_228, %dma_wait3A_229, %dma_wait3A_230] : memref<2x80x44xf32, #tpu.memory_space<vmem>> -> memref<1x80x44xf32, #tpu.memory_space<vmem>>
      %dma_wait3A_232 = tpu.memref_squeeze %dma_wait3A_231 : memref<1x80x44xf32, #tpu.memory_space<vmem>> -> memref<80x44xf32, #tpu.memory_space<vmem>>
      %dma_wait3A_233 = arith.constant 0 : i32
      %dma_wait3A_234 = tpu.memref_slice %arg4[%multiple_of3A_189, %dma_wait3A_233] : memref<204800x300xf32, #tpu.memory_space<hbm>> -> memref<80x300xf32, #tpu.memory_space<hbm>>
      %dma_wait3A_235 = arith.constant 0 : i32
      %dma_wait3A_236 = arith.constant 256 : i32
      %dma_wait3A_237 = tpu.memref_slice %dma_wait3A_234[%dma_wait3A_235, %dma_wait3A_236] : memref<80x300xf32, #tpu.memory_space<hbm>> -> memref<80x44xf32, #tpu.memory_space<hbm>>
      %dma_wait3A_238 = arith.constant 0 : i32
      %dma_wait3A_239 = tpu.memref_slice %arg4[%multiple_of3A_189, %dma_wait3A_238] : memref<204800x300xf32, #tpu.memory_space<hbm>> -> memref<80x300xf32, #tpu.memory_space<hbm>>
      %dma_wait3A_240 = arith.constant 0 : i32
      %dma_wait3A_241 = arith.constant 256 : i32
      %dma_wait3A_242 = tpu.memref_slice %dma_wait3A_239[%dma_wait3A_240, %dma_wait3A_241] : memref<80x300xf32, #tpu.memory_space<hbm>> -> memref<80x44xf32, #tpu.memory_space<hbm>>
      %dma_wait3A_243 = arith.constant 0 : i32
      %dma_wait3A_244 = arith.constant 0 : i32
      %dma_wait3A_245 = tpu.memref_slice %arg7[%dma_wait3A_228, %dma_wait3A_243, %dma_wait3A_244] : memref<2x80x44xf32, #tpu.memory_space<vmem>> -> memref<1x80x44xf32, #tpu.memory_space<vmem>>
      %dma_wait3A_246 = tpu.memref_squeeze %dma_wait3A_245 : memref<1x80x44xf32, #tpu.memory_space<vmem>> -> memref<80x44xf32, #tpu.memory_space<vmem>>
      tpu.wait_dma2 semaphore(%arg9 : memref<!tpu.dma_semaphore, #tpu.memory_space<semaphore_mem>>) src(%dma_wait3A_246 : memref<80x44xf32, #tpu.memory_space<vmem>>) dst(%dma_wait3A_242 : memref<80x44xf32, #tpu.memory_space<hbm>>)
      %lt3A = arith.constant 39 : i32
      %lt3A_247 = arith.cmpi slt, %scan3A_78, %lt3A : i32
      %convert_element_type3A_248 = arith.extui %lt3A_247 : i1 to i32
      %cond3A_249 = arith.constant 0 : i32
      %cond3A_250 = arith.cmpi ne, %convert_element_type3A_248, %cond3A_249 : i32
      scf.if %cond3A_250 {
        %add3A_318 = arith.constant 2 : i32
        %add3A_319 = arith.addi %mul3A_80, %add3A_318 : i32
        %dma_start3A_320 = arith.constant 0 : i32
        %dma_start3A_321 = arith.constant 0 : i32
        %dma_start3A_322 = arith.constant 0 : i32
        %dma_start3A_323 = tpu.memref_slice %arg6[%dma_start3A_320, %dma_start3A_321, %dma_start3A_322] : memref<2x80x384xf32, #tpu.memory_space<vmem>> -> memref<1x80x384xf32, #tpu.memory_space<vmem>>
        %dma_start3A_324 = tpu.memref_squeeze %dma_start3A_323 : memref<1x80x384xf32, #tpu.memory_space<vmem>> -> memref<80x384xf32, #tpu.memory_space<vmem>>
        %dma_start3A_325 = arith.constant 0 : i32
        %dma_start3A_326 = tpu.memref_slice %arg5[%add3A_319, %dma_start3A_325] : memref<80x80xi32, #tpu.memory_space<vmem>> -> memref<1x80xi32, #tpu.memory_space<vmem>>
        %dma_start3A_327 = tpu.memref_squeeze %dma_start3A_326 : memref<1x80xi32, #tpu.memory_space<vmem>> -> memref<80xi32, #tpu.memory_space<vmem>>
        %dma_start3A_328 = arith.constant 0 : i32
        %dma_start3A_329 = arith.constant 0 : i32
        %dma_start3A_330 = tpu.memref_slice %arg3[%dma_start3A_328, %dma_start3A_329] : memref<100000x384xf32, #tpu.memory_space<hbm>> -> memref<100000x384xf32, #tpu.memory_space<hbm>>
        tpu.enqueue_indirect_dma source(%dma_start3A_330 : memref<100000x384xf32, #tpu.memory_space<hbm>>) target(%dma_start3A_324 : memref<80x384xf32, #tpu.memory_space<vmem>>) offsets(%dma_start3A_327 : memref<80xi32, #tpu.memory_space<vmem>>) semaphore(%arg8 : memref<!tpu.dma_semaphore, #tpu.memory_space<semaphore_mem>>)
      } else {
      }
      %scan3A_251 = arith.constant 0 : i32
      %scan3A_252 = arith.constant 0 : i32
      %scan3A_253 = arith.constant 80 : i32
      %scan3A_254 = arith.addi %scan3A_252, %scan3A_253 : i32
      %scan3A_255 = arith.constant 4 : i32
      scf.for %scan3A_318 = %scan3A_252 to %scan3A_254 step %scan3A_255  : i32 {
        %get3A = arith.constant 1 : i32
        %get3A_319 = arith.index_cast %get3A : i32 to index
        %get3A_320 = arith.index_cast %scan3A_318 : i32 to index
        %get3A_321 = arith.constant 256 : index
        %get3A_322 = tpu.vector_load %arg6[%get3A_319, %get3A_320, %get3A_321] {strides = array<i32>} : memref<2x80x384xf32, #tpu.memory_space<vmem>>, vector<1x1x16xf32>,
        %get3A_323 = vector.shape_cast %get3A_322 : vector<1x1x16xf32> to vector<16xf32>
        %swap3A = arith.constant 1 : i32
        %swap3A_324 = arith.index_cast %swap3A : i32 to index
        %swap3A_325 = arith.index_cast %scan3A_318 : i32 to index
        %swap3A_326 = arith.constant 0 : index
        %swap3A_327 = tpu.vector_load %arg7[%swap3A_324, %swap3A_325, %swap3A_326] {strides = array<i32>} : memref<2x80x44xf32, #tpu.memory_space<vmem>>, vector<1x1x16xf32>,
        %swap3A_328 = vector.shape_cast %swap3A_327 : vector<1x1x16xf32> to vector<16xf32>
        %swap3A_329 = vector.shape_cast %get3A_323 : vector<16xf32> to vector<1x1x16xf32>
        tpu.vector_store %arg7[%swap3A_324, %swap3A_325, %swap3A_326], %swap3A_329 {strides = array<i32>} : memref<2x80x44xf32, #tpu.memory_space<vmem>>, vector<1x1x16xf32>,
        %get3A_330 = arith.constant 1 : i32
        %get3A_331 = arith.index_cast %get3A_330 : i32 to index
        %get3A_332 = arith.index_cast %scan3A_318 : i32 to index
        %get3A_333 = arith.constant 272 : index
        %get3A_334 = tpu.vector_load %arg6[%get3A_331, %get3A_332, %get3A_333] {strides = array<i32>} : memref<2x80x384xf32, #tpu.memory_space<vmem>>, vector<1x1x16xf32>,
        %get3A_335 = vector.shape_cast %get3A_334 : vector<1x1x16xf32> to vector<16xf32>
        %swap3A_336 = arith.constant 1 : i32
        %swap3A_337 = arith.index_cast %swap3A_336 : i32 to index
        %swap3A_338 = arith.index_cast %scan3A_318 : i32 to index
        %swap3A_339 = arith.constant 16 : index
        %swap3A_340 = tpu.vector_load %arg7[%swap3A_337, %swap3A_338, %swap3A_339] {strides = array<i32>} : memref<2x80x44xf32, #tpu.memory_space<vmem>>, vector<1x1x16xf32>,
        %swap3A_341 = vector.shape_cast %swap3A_340 : vector<1x1x16xf32> to vector<16xf32>
        %swap3A_342 = vector.shape_cast %get3A_335 : vector<16xf32> to vector<1x1x16xf32>
        tpu.vector_store %arg7[%swap3A_337, %swap3A_338, %swap3A_339], %swap3A_342 {strides = array<i32>} : memref<2x80x44xf32, #tpu.memory_space<vmem>>, vector<1x1x16xf32>,
        %get3A_343 = arith.constant 1 : i32
        %get3A_344 = arith.index_cast %get3A_343 : i32 to index
        %get3A_345 = arith.index_cast %scan3A_318 : i32 to index
        %get3A_346 = arith.constant 284 : index
        %get3A_347 = tpu.vector_load %arg6[%get3A_344, %get3A_345, %get3A_346] {strides = array<i32>} : memref<2x80x384xf32, #tpu.memory_space<vmem>>, vector<1x1x16xf32>,
        %get3A_348 = vector.shape_cast %get3A_347 : vector<1x1x16xf32> to vector<16xf32>
        %swap3A_349 = arith.constant 1 : i32
        %swap3A_350 = arith.index_cast %swap3A_349 : i32 to index
        %swap3A_351 = arith.index_cast %scan3A_318 : i32 to index
        %swap3A_352 = arith.constant 28 : index
        %swap3A_353 = tpu.vector_load %arg7[%swap3A_350, %swap3A_351, %swap3A_352] {strides = array<i32>} : memref<2x80x44xf32, #tpu.memory_space<vmem>>, vector<1x1x16xf32>,
        %swap3A_354 = vector.shape_cast %swap3A_353 : vector<1x1x16xf32> to vector<16xf32>
        %swap3A_355 = vector.shape_cast %get3A_348 : vector<16xf32> to vector<1x1x16xf32>
        tpu.vector_store %arg7[%swap3A_350, %swap3A_351, %swap3A_352], %swap3A_355 {strides = array<i32>} : memref<2x80x44xf32, #tpu.memory_space<vmem>>, vector<1x1x16xf32>,
        %scan3A_356 = arith.constant 1 : i32
        %scan3A_357 = arith.addi %scan3A_318, %scan3A_356 : i32
        %get3A_358 = arith.constant 1 : i32
        %get3A_359 = arith.index_cast %get3A_358 : i32 to index
        %get3A_360 = arith.index_cast %scan3A_357 : i32 to index
        %get3A_361 = arith.constant 256 : index
        %get3A_362 = tpu.vector_load %arg6[%get3A_359, %get3A_360, %get3A_361] {strides = array<i32>} : memref<2x80x384xf32, #tpu.memory_space<vmem>>, vector<1x1x16xf32>,
        %get3A_363 = vector.shape_cast %get3A_362 : vector<1x1x16xf32> to vector<16xf32>
        %swap3A_364 = arith.constant 1 : i32
        %swap3A_365 = arith.index_cast %swap3A_364 : i32 to index
        %swap3A_366 = arith.index_cast %scan3A_357 : i32 to index
        %swap3A_367 = arith.constant 0 : index
        %swap3A_368 = tpu.vector_load %arg7[%swap3A_365, %swap3A_366, %swap3A_367] {strides = array<i32>} : memref<2x80x44xf32, #tpu.memory_space<vmem>>, vector<1x1x16xf32>,
        %swap3A_369 = vector.shape_cast %swap3A_368 : vector<1x1x16xf32> to vector<16xf32>
        %swap3A_370 = vector.shape_cast %get3A_363 : vector<16xf32> to vector<1x1x16xf32>
        tpu.vector_store %arg7[%swap3A_365, %swap3A_366, %swap3A_367], %swap3A_370 {strides = array<i32>} : memref<2x80x44xf32, #tpu.memory_space<vmem>>, vector<1x1x16xf32>,
        %get3A_371 = arith.constant 1 : i32
        %get3A_372 = arith.index_cast %get3A_371 : i32 to index
        %get3A_373 = arith.index_cast %scan3A_357 : i32 to index
        %get3A_374 = arith.constant 272 : index
        %get3A_375 = tpu.vector_load %arg6[%get3A_372, %get3A_373, %get3A_374] {strides = array<i32>} : memref<2x80x384xf32, #tpu.memory_space<vmem>>, vector<1x1x16xf32>,
        %get3A_376 = vector.shape_cast %get3A_375 : vector<1x1x16xf32> to vector<16xf32>
        %swap3A_377 = arith.constant 1 : i32
        %swap3A_378 = arith.index_cast %swap3A_377 : i32 to index
        %swap3A_379 = arith.index_cast %scan3A_357 : i32 to index
        %swap3A_380 = arith.constant 16 : index
        %swap3A_381 = tpu.vector_load %arg7[%swap3A_378, %swap3A_379, %swap3A_380] {strides = array<i32>} : memref<2x80x44xf32, #tpu.memory_space<vmem>>, vector<1x1x16xf32>,
        %swap3A_382 = vector.shape_cast %swap3A_381 : vector<1x1x16xf32> to vector<16xf32>
        %swap3A_383 = vector.shape_cast %get3A_376 : vector<16xf32> to vector<1x1x16xf32>
        tpu.vector_store %arg7[%swap3A_378, %swap3A_379, %swap3A_380], %swap3A_383 {strides = array<i32>} : memref<2x80x44xf32, #tpu.memory_space<vmem>>, vector<1x1x16xf32>,
        %get3A_384 = arith.constant 1 : i32
        %get3A_385 = arith.index_cast %get3A_384 : i32 to index
        %get3A_386 = arith.index_cast %scan3A_357 : i32 to index
        %get3A_387 = arith.constant 284 : index
        %get3A_388 = tpu.vector_load %arg6[%get3A_385, %get3A_386, %get3A_387] {strides = array<i32>} : memref<2x80x384xf32, #tpu.memory_space<vmem>>, vector<1x1x16xf32>,
        %get3A_389 = vector.shape_cast %get3A_388 : vector<1x1x16xf32> to vector<16xf32>
        %swap3A_390 = arith.constant 1 : i32
        %swap3A_391 = arith.index_cast %swap3A_390 : i32 to index
        %swap3A_392 = arith.index_cast %scan3A_357 : i32 to index
        %swap3A_393 = arith.constant 28 : index
        %swap3A_394 = tpu.vector_load %arg7[%swap3A_391, %swap3A_392, %swap3A_393] {strides = array<i32>} : memref<2x80x44xf32, #tpu.memory_space<vmem>>, vector<1x1x16xf32>,
        %swap3A_395 = vector.shape_cast %swap3A_394 : vector<1x1x16xf32> to vector<16xf32>
        %swap3A_396 = vector.shape_cast %get3A_389 : vector<16xf32> to vector<1x1x16xf32>
        tpu.vector_store %arg7[%swap3A_391, %swap3A_392, %swap3A_393], %swap3A_396 {strides = array<i32>} : memref<2x80x44xf32, #tpu.memory_space<vmem>>, vector<1x1x16xf32>,
        %scan3A_397 = arith.constant 2 : i32
        %scan3A_398 = arith.addi %scan3A_318, %scan3A_397 : i32
        %get3A_399 = arith.constant 1 : i32
        %get3A_400 = arith.index_cast %get3A_399 : i32 to index
        %get3A_401 = arith.index_cast %scan3A_398 : i32 to index
        %get3A_402 = arith.constant 256 : index
        %get3A_403 = tpu.vector_load %arg6[%get3A_400, %get3A_401, %get3A_402] {strides = array<i32>} : memref<2x80x384xf32, #tpu.memory_space<vmem>>, vector<1x1x16xf32>,
        %get3A_404 = vector.shape_cast %get3A_403 : vector<1x1x16xf32> to vector<16xf32>
        %swap3A_405 = arith.constant 1 : i32
        %swap3A_406 = arith.index_cast %swap3A_405 : i32 to index
        %swap3A_407 = arith.index_cast %scan3A_398 : i32 to index
        %swap3A_408 = arith.constant 0 : index
        %swap3A_409 = tpu.vector_load %arg7[%swap3A_406, %swap3A_407, %swap3A_408] {strides = array<i32>} : memref<2x80x44xf32, #tpu.memory_space<vmem>>, vector<1x1x16xf32>,
        %swap3A_410 = vector.shape_cast %swap3A_409 : vector<1x1x16xf32> to vector<16xf32>
        %swap3A_411 = vector.shape_cast %get3A_404 : vector<16xf32> to vector<1x1x16xf32>
        tpu.vector_store %arg7[%swap3A_406, %swap3A_407, %swap3A_408], %swap3A_411 {strides = array<i32>} : memref<2x80x44xf32, #tpu.memory_space<vmem>>, vector<1x1x16xf32>,
        %get3A_412 = arith.constant 1 : i32
        %get3A_413 = arith.index_cast %get3A_412 : i32 to index
        %get3A_414 = arith.index_cast %scan3A_398 : i32 to index
        %get3A_415 = arith.constant 272 : index
        %get3A_416 = tpu.vector_load %arg6[%get3A_413, %get3A_414, %get3A_415] {strides = array<i32>} : memref<2x80x384xf32, #tpu.memory_space<vmem>>, vector<1x1x16xf32>,
        %get3A_417 = vector.shape_cast %get3A_416 : vector<1x1x16xf32> to vector<16xf32>
        %swap3A_418 = arith.constant 1 : i32
        %swap3A_419 = arith.index_cast %swap3A_418 : i32 to index
        %swap3A_420 = arith.index_cast %scan3A_398 : i32 to index
        %swap3A_421 = arith.constant 16 : index
        %swap3A_422 = tpu.vector_load %arg7[%swap3A_419, %swap3A_420, %swap3A_421] {strides = array<i32>} : memref<2x80x44xf32, #tpu.memory_space<vmem>>, vector<1x1x16xf32>,
        %swap3A_423 = vector.shape_cast %swap3A_422 : vector<1x1x16xf32> to vector<16xf32>
        %swap3A_424 = vector.shape_cast %get3A_417 : vector<16xf32> to vector<1x1x16xf32>
        tpu.vector_store %arg7[%swap3A_419, %swap3A_420, %swap3A_421], %swap3A_424 {strides = array<i32>} : memref<2x80x44xf32, #tpu.memory_space<vmem>>, vector<1x1x16xf32>,
        %get3A_425 = arith.constant 1 : i32
        %get3A_426 = arith.index_cast %get3A_425 : i32 to index
        %get3A_427 = arith.index_cast %scan3A_398 : i32 to index
        %get3A_428 = arith.constant 284 : index
        %get3A_429 = tpu.vector_load %arg6[%get3A_426, %get3A_427, %get3A_428] {strides = array<i32>} : memref<2x80x384xf32, #tpu.memory_space<vmem>>, vector<1x1x16xf32>,
        %get3A_430 = vector.shape_cast %get3A_429 : vector<1x1x16xf32> to vector<16xf32>
        %swap3A_431 = arith.constant 1 : i32
        %swap3A_432 = arith.index_cast %swap3A_431 : i32 to index
        %swap3A_433 = arith.index_cast %scan3A_398 : i32 to index
        %swap3A_434 = arith.constant 28 : index
        %swap3A_435 = tpu.vector_load %arg7[%swap3A_432, %swap3A_433, %swap3A_434] {strides = array<i32>} : memref<2x80x44xf32, #tpu.memory_space<vmem>>, vector<1x1x16xf32>,
        %swap3A_436 = vector.shape_cast %swap3A_435 : vector<1x1x16xf32> to vector<16xf32>
        %swap3A_437 = vector.shape_cast %get3A_430 : vector<16xf32> to vector<1x1x16xf32>
        tpu.vector_store %arg7[%swap3A_432, %swap3A_433, %swap3A_434], %swap3A_437 {strides = array<i32>} : memref<2x80x44xf32, #tpu.memory_space<vmem>>, vector<1x1x16xf32>,
        %scan3A_438 = arith.constant 3 : i32
        %scan3A_439 = arith.addi %scan3A_318, %scan3A_438 : i32
        %get3A_440 = arith.constant 1 : i32
        %get3A_441 = arith.index_cast %get3A_440 : i32 to index
        %get3A_442 = arith.index_cast %scan3A_439 : i32 to index
        %get3A_443 = arith.constant 256 : index
        %get3A_444 = tpu.vector_load %arg6[%get3A_441, %get3A_442, %get3A_443] {strides = array<i32>} : memref<2x80x384xf32, #tpu.memory_space<vmem>>, vector<1x1x16xf32>,
        %get3A_445 = vector.shape_cast %get3A_444 : vector<1x1x16xf32> to vector<16xf32>
        %swap3A_446 = arith.constant 1 : i32
        %swap3A_447 = arith.index_cast %swap3A_446 : i32 to index
        %swap3A_448 = arith.index_cast %scan3A_439 : i32 to index
        %swap3A_449 = arith.constant 0 : index
        %swap3A_450 = tpu.vector_load %arg7[%swap3A_447, %swap3A_448, %swap3A_449] {strides = array<i32>} : memref<2x80x44xf32, #tpu.memory_space<vmem>>, vector<1x1x16xf32>,
        %swap3A_451 = vector.shape_cast %swap3A_450 : vector<1x1x16xf32> to vector<16xf32>
        %swap3A_452 = vector.shape_cast %get3A_445 : vector<16xf32> to vector<1x1x16xf32>
        tpu.vector_store %arg7[%swap3A_447, %swap3A_448, %swap3A_449], %swap3A_452 {strides = array<i32>} : memref<2x80x44xf32, #tpu.memory_space<vmem>>, vector<1x1x16xf32>,
        %get3A_453 = arith.constant 1 : i32
        %get3A_454 = arith.index_cast %get3A_453 : i32 to index
        %get3A_455 = arith.index_cast %scan3A_439 : i32 to index
        %get3A_456 = arith.constant 272 : index
        %get3A_457 = tpu.vector_load %arg6[%get3A_454, %get3A_455, %get3A_456] {strides = array<i32>} : memref<2x80x384xf32, #tpu.memory_space<vmem>>, vector<1x1x16xf32>,
        %get3A_458 = vector.shape_cast %get3A_457 : vector<1x1x16xf32> to vector<16xf32>
        %swap3A_459 = arith.constant 1 : i32
        %swap3A_460 = arith.index_cast %swap3A_459 : i32 to index
        %swap3A_461 = arith.index_cast %scan3A_439 : i32 to index
        %swap3A_462 = arith.constant 16 : index
        %swap3A_463 = tpu.vector_load %arg7[%swap3A_460, %swap3A_461, %swap3A_462] {strides = array<i32>} : memref<2x80x44xf32, #tpu.memory_space<vmem>>, vector<1x1x16xf32>,
        %swap3A_464 = vector.shape_cast %swap3A_463 : vector<1x1x16xf32> to vector<16xf32>
        %swap3A_465 = vector.shape_cast %get3A_458 : vector<16xf32> to vector<1x1x16xf32>
        tpu.vector_store %arg7[%swap3A_460, %swap3A_461, %swap3A_462], %swap3A_465 {strides = array<i32>} : memref<2x80x44xf32, #tpu.memory_space<vmem>>, vector<1x1x16xf32>,
        %get3A_466 = arith.constant 1 : i32
        %get3A_467 = arith.index_cast %get3A_466 : i32 to index
        %get3A_468 = arith.index_cast %scan3A_439 : i32 to index
        %get3A_469 = arith.constant 284 : index
        %get3A_470 = tpu.vector_load %arg6[%get3A_467, %get3A_468, %get3A_469] {strides = array<i32>} : memref<2x80x384xf32, #tpu.memory_space<vmem>>, vector<1x1x16xf32>,
        %get3A_471 = vector.shape_cast %get3A_470 : vector<1x1x16xf32> to vector<16xf32>
        %swap3A_472 = arith.constant 1 : i32
        %swap3A_473 = arith.index_cast %swap3A_472 : i32 to index
        %swap3A_474 = arith.index_cast %scan3A_439 : i32 to index
        %swap3A_475 = arith.constant 28 : index
        %swap3A_476 = tpu.vector_load %arg7[%swap3A_473, %swap3A_474, %swap3A_475] {strides = array<i32>} : memref<2x80x44xf32, #tpu.memory_space<vmem>>, vector<1x1x16xf32>,
        %swap3A_477 = vector.shape_cast %swap3A_476 : vector<1x1x16xf32> to vector<16xf32>
        %swap3A_478 = vector.shape_cast %get3A_471 : vector<16xf32> to vector<1x1x16xf32>
        tpu.vector_store %arg7[%swap3A_473, %swap3A_474, %swap3A_475], %swap3A_478 {strides = array<i32>} : memref<2x80x44xf32, #tpu.memory_space<vmem>>, vector<1x1x16xf32>,
      }
      %scan3A_256 = arith.constant 80 : i32
      %mul3A_257 = arith.constant 80 : i32
      %mul3A_258 = arith.muli %add3A_82, %mul3A_257 : i32
      %add3A_259 = arith.addi %multiple_of3A, %mul3A_258 : i32
      %multiple_of3A_260 = tpu.assume_multiple %add3A_259, 8 : i32
      %dma_start3A_261 = arith.constant 1 : i32
      %dma_start3A_262 = arith.constant 0 : i32
      %dma_start3A_263 = arith.constant 0 : i32
      %dma_start3A_264 = tpu.memref_slice %arg6[%dma_start3A_261, %dma_start3A_262, %dma_start3A_263] : memref<2x80x384xf32, #tpu.memory_space<vmem>> -> memref<1x80x128xf32, #tpu.memory_space<vmem>>
      %dma_start3A_265 = tpu.memref_squeeze %dma_start3A_264 : memref<1x80x128xf32, #tpu.memory_space<vmem>> -> memref<80x128xf32, #tpu.memory_space<vmem>>
      %dma_start3A_266 = arith.constant 0 : i32
      %dma_start3A_267 = tpu.memref_slice %arg4[%multiple_of3A_260, %dma_start3A_266] : memref<204800x300xf32, #tpu.memory_space<hbm>> -> memref<80x300xf32, #tpu.memory_space<hbm>>
      %dma_start3A_268 = arith.constant 0 : i32
      %dma_start3A_269 = arith.constant 0 : i32
      %dma_start3A_270 = tpu.memref_slice %dma_start3A_267[%dma_start3A_268, %dma_start3A_269] : memref<80x300xf32, #tpu.memory_space<hbm>> -> memref<80x128xf32, #tpu.memory_space<hbm>>
      %dma_start3A_271 = arith.constant 0 : i32
      %dma_start3A_272 = tpu.memref_slice %arg4[%multiple_of3A_260, %dma_start3A_271] : memref<204800x300xf32, #tpu.memory_space<hbm>> -> memref<80x300xf32, #tpu.memory_space<hbm>>
      %dma_start3A_273 = arith.constant 0 : i32
      %dma_start3A_274 = arith.constant 0 : i32
      %dma_start3A_275 = tpu.memref_slice %dma_start3A_272[%dma_start3A_273, %dma_start3A_274] : memref<80x300xf32, #tpu.memory_space<hbm>> -> memref<80x128xf32, #tpu.memory_space<hbm>>
      %dma_start3A_276 = arith.constant 0 : i32
      %dma_start3A_277 = arith.constant 0 : i32
      %dma_start3A_278 = tpu.memref_slice %arg6[%dma_start3A_261, %dma_start3A_276, %dma_start3A_277] : memref<2x80x384xf32, #tpu.memory_space<vmem>> -> memref<1x80x128xf32, #tpu.memory_space<vmem>>
      %dma_start3A_279 = tpu.memref_squeeze %dma_start3A_278 : memref<1x80x128xf32, #tpu.memory_space<vmem>> -> memref<80x128xf32, #tpu.memory_space<vmem>>
      tpu.enqueue_dma source(%dma_start3A_279 : memref<80x128xf32, #tpu.memory_space<vmem>>) target(%dma_start3A_275 : memref<80x128xf32, #tpu.memory_space<hbm>>) target_semaphore(%arg10 : memref<!tpu.dma_semaphore, #tpu.memory_space<semaphore_mem>>)
      %dma_start3A_280 = arith.constant 1 : i32
      %dma_start3A_281 = arith.constant 0 : i32
      %dma_start3A_282 = arith.constant 128 : i32
      %dma_start3A_283 = tpu.memref_slice %arg6[%dma_start3A_280, %dma_start3A_281, %dma_start3A_282] : memref<2x80x384xf32, #tpu.memory_space<vmem>> -> memref<1x80x128xf32, #tpu.memory_space<vmem>>
      %dma_start3A_284 = tpu.memref_squeeze %dma_start3A_283 : memref<1x80x128xf32, #tpu.memory_space<vmem>> -> memref<80x128xf32, #tpu.memory_space<vmem>>
      %dma_start3A_285 = arith.constant 0 : i32
      %dma_start3A_286 = tpu.memref_slice %arg4[%multiple_of3A_260, %dma_start3A_285] : memref<204800x300xf32, #tpu.memory_space<hbm>> -> memref<80x300xf32, #tpu.memory_space<hbm>>
      %dma_start3A_287 = arith.constant 0 : i32
      %dma_start3A_288 = arith.constant 128 : i32
      %dma_start3A_289 = tpu.memref_slice %dma_start3A_286[%dma_start3A_287, %dma_start3A_288] : memref<80x300xf32, #tpu.memory_space<hbm>> -> memref<80x128xf32, #tpu.memory_space<hbm>>
      %dma_start3A_290 = arith.constant 0 : i32
      %dma_start3A_291 = tpu.memref_slice %arg4[%multiple_of3A_260, %dma_start3A_290] : memref<204800x300xf32, #tpu.memory_space<hbm>> -> memref<80x300xf32, #tpu.memory_space<hbm>>
      %dma_start3A_292 = arith.constant 0 : i32
      %dma_start3A_293 = arith.constant 128 : i32
      %dma_start3A_294 = tpu.memref_slice %dma_start3A_291[%dma_start3A_292, %dma_start3A_293] : memref<80x300xf32, #tpu.memory_space<hbm>> -> memref<80x128xf32, #tpu.memory_space<hbm>>
      %dma_start3A_295 = arith.constant 0 : i32
      %dma_start3A_296 = arith.constant 128 : i32
      %dma_start3A_297 = tpu.memref_slice %arg6[%dma_start3A_280, %dma_start3A_295, %dma_start3A_296] : memref<2x80x384xf32, #tpu.memory_space<vmem>> -> memref<1x80x128xf32, #tpu.memory_space<vmem>>
      %dma_start3A_298 = tpu.memref_squeeze %dma_start3A_297 : memref<1x80x128xf32, #tpu.memory_space<vmem>> -> memref<80x128xf32, #tpu.memory_space<vmem>>
      tpu.enqueue_dma source(%dma_start3A_298 : memref<80x128xf32, #tpu.memory_space<vmem>>) target(%dma_start3A_294 : memref<80x128xf32, #tpu.memory_space<hbm>>) target_semaphore(%arg10 : memref<!tpu.dma_semaphore, #tpu.memory_space<semaphore_mem>>)
      %dma_start3A_299 = arith.constant 1 : i32
      %dma_start3A_300 = arith.constant 0 : i32
      %dma_start3A_301 = arith.constant 0 : i32
      %dma_start3A_302 = tpu.memref_slice %arg7[%dma_start3A_299, %dma_start3A_300, %dma_start3A_301] : memref<2x80x44xf32, #tpu.memory_space<vmem>> -> memref<1x80x44xf32, #tpu.memory_space<vmem>>
      %dma_start3A_303 = tpu.memref_squeeze %dma_start3A_302 : memref<1x80x44xf32, #tpu.memory_space<vmem>> -> memref<80x44xf32, #tpu.memory_space<vmem>>
      %dma_start3A_304 = arith.constant 0 : i32
      %dma_start3A_305 = tpu.memref_slice %arg4[%multiple_of3A_260, %dma_start3A_304] : memref<204800x300xf32, #tpu.memory_space<hbm>> -> memref<80x300xf32, #tpu.memory_space<hbm>>
      %dma_start3A_306 = arith.constant 0 : i32
      %dma_start3A_307 = arith.constant 256 : i32
      %dma_start3A_308 = tpu.memref_slice %dma_start3A_305[%dma_start3A_306, %dma_start3A_307] : memref<80x300xf32, #tpu.memory_space<hbm>> -> memref<80x44xf32, #tpu.memory_space<hbm>>
      %dma_start3A_309 = arith.constant 0 : i32
      %dma_start3A_310 = tpu.memref_slice %arg4[%multiple_of3A_260, %dma_start3A_309] : memref<204800x300xf32, #tpu.memory_space<hbm>> -> memref<80x300xf32, #tpu.memory_space<hbm>>
      %dma_start3A_311 = arith.constant 0 : i32
      %dma_start3A_312 = arith.constant 256 : i32
      %dma_start3A_313 = tpu.memref_slice %dma_start3A_310[%dma_start3A_311, %dma_start3A_312] : memref<80x300xf32, #tpu.memory_space<hbm>> -> memref<80x44xf32, #tpu.memory_space<hbm>>
      %dma_start3A_314 = arith.constant 0 : i32
      %dma_start3A_315 = arith.constant 0 : i32
      %dma_start3A_316 = tpu.memref_slice %arg7[%dma_start3A_299, %dma_start3A_314, %dma_start3A_315] : memref<2x80x44xf32, #tpu.memory_space<vmem>> -> memref<1x80x44xf32, #tpu.memory_space<vmem>>
      %dma_start3A_317 = tpu.memref_squeeze %dma_start3A_316 : memref<1x80x44xf32, #tpu.memory_space<vmem>> -> memref<80x44xf32, #tpu.memory_space<vmem>>
      tpu.enqueue_dma source(%dma_start3A_317 : memref<80x44xf32, #tpu.memory_space<vmem>>) target(%dma_start3A_313 : memref<80x44xf32, #tpu.memory_space<hbm>>) target_semaphore(%arg10 : memref<!tpu.dma_semaphore, #tpu.memory_space<semaphore_mem>>)
    }
    %scan3A_18 = arith.constant 40 : i32
    %add3A_19 = arith.constant 0 : i32
    %add3A_20 = arith.addi %multiple_of3A, %add3A_19 : i32
    %multiple_of3A_21 = tpu.assume_multiple %add3A_20, 8 : i32
    %dma_wait3A = arith.constant 1 : i32
    %dma_wait3A_22 = arith.constant 0 : i32
    %dma_wait3A_23 = arith.constant 0 : i32
    %dma_wait3A_24 = tpu.memref_slice %arg6[%dma_wait3A, %dma_wait3A_22, %dma_wait3A_23] : memref<2x80x384xf32, #tpu.memory_space<vmem>> -> memref<1x80x128xf32, #tpu.memory_space<vmem>>
    %dma_wait3A_25 = tpu.memref_squeeze %dma_wait3A_24 : memref<1x80x128xf32, #tpu.memory_space<vmem>> -> memref<80x128xf32, #tpu.memory_space<vmem>>
    %dma_wait3A_26 = arith.constant 0 : i32
    %dma_wait3A_27 = tpu.memref_slice %arg4[%multiple_of3A_21, %dma_wait3A_26] : memref<204800x300xf32, #tpu.memory_space<hbm>> -> memref<80x300xf32, #tpu.memory_space<hbm>>
    %dma_wait3A_28 = arith.constant 0 : i32
    %dma_wait3A_29 = arith.constant 0 : i32
    %dma_wait3A_30 = tpu.memref_slice %dma_wait3A_27[%dma_wait3A_28, %dma_wait3A_29] : memref<80x300xf32, #tpu.memory_space<hbm>> -> memref<80x128xf32, #tpu.memory_space<hbm>>
    %dma_wait3A_31 = arith.constant 0 : i32
    %dma_wait3A_32 = tpu.memref_slice %arg4[%multiple_of3A_21, %dma_wait3A_31] : memref<204800x300xf32, #tpu.memory_space<hbm>> -> memref<80x300xf32, #tpu.memory_space<hbm>>
    %dma_wait3A_33 = arith.constant 0 : i32
    %dma_wait3A_34 = arith.constant 0 : i32
    %dma_wait3A_35 = tpu.memref_slice %dma_wait3A_32[%dma_wait3A_33, %dma_wait3A_34] : memref<80x300xf32, #tpu.memory_space<hbm>> -> memref<80x128xf32, #tpu.memory_space<hbm>>
    %dma_wait3A_36 = arith.constant 0 : i32
    %dma_wait3A_37 = arith.constant 0 : i32
    %dma_wait3A_38 = tpu.memref_slice %arg6[%dma_wait3A, %dma_wait3A_36, %dma_wait3A_37] : memref<2x80x384xf32, #tpu.memory_space<vmem>> -> memref<1x80x128xf32, #tpu.memory_space<vmem>>
    %dma_wait3A_39 = tpu.memref_squeeze %dma_wait3A_38 : memref<1x80x128xf32, #tpu.memory_space<vmem>> -> memref<80x128xf32, #tpu.memory_space<vmem>>
    tpu.wait_dma2 semaphore(%arg10 : memref<!tpu.dma_semaphore, #tpu.memory_space<semaphore_mem>>) src(%dma_wait3A_39 : memref<80x128xf32, #tpu.memory_space<vmem>>) dst(%dma_wait3A_35 : memref<80x128xf32, #tpu.memory_space<hbm>>)
    %dma_wait3A_40 = arith.constant 1 : i32
    %dma_wait3A_41 = arith.constant 0 : i32
    %dma_wait3A_42 = arith.constant 128 : i32
    %dma_wait3A_43 = tpu.memref_slice %arg6[%dma_wait3A_40, %dma_wait3A_41, %dma_wait3A_42] : memref<2x80x384xf32, #tpu.memory_space<vmem>> -> memref<1x80x128xf32, #tpu.memory_space<vmem>>
    %dma_wait3A_44 = tpu.memref_squeeze %dma_wait3A_43 : memref<1x80x128xf32, #tpu.memory_space<vmem>> -> memref<80x128xf32, #tpu.memory_space<vmem>>
    %dma_wait3A_45 = arith.constant 0 : i32
    %dma_wait3A_46 = tpu.memref_slice %arg4[%multiple_of3A_21, %dma_wait3A_45] : memref<204800x300xf32, #tpu.memory_space<hbm>> -> memref<80x300xf32, #tpu.memory_space<hbm>>
    %dma_wait3A_47 = arith.constant 0 : i32
    %dma_wait3A_48 = arith.constant 128 : i32
    %dma_wait3A_49 = tpu.memref_slice %dma_wait3A_46[%dma_wait3A_47, %dma_wait3A_48] : memref<80x300xf32, #tpu.memory_space<hbm>> -> memref<80x128xf32, #tpu.memory_space<hbm>>
    %dma_wait3A_50 = arith.constant 0 : i32
    %dma_wait3A_51 = tpu.memref_slice %arg4[%multiple_of3A_21, %dma_wait3A_50] : memref<204800x300xf32, #tpu.memory_space<hbm>> -> memref<80x300xf32, #tpu.memory_space<hbm>>
    %dma_wait3A_52 = arith.constant 0 : i32
    %dma_wait3A_53 = arith.constant 128 : i32
    %dma_wait3A_54 = tpu.memref_slice %dma_wait3A_51[%dma_wait3A_52, %dma_wait3A_53] : memref<80x300xf32, #tpu.memory_space<hbm>> -> memref<80x128xf32, #tpu.memory_space<hbm>>
    %dma_wait3A_55 = arith.constant 0 : i32
    %dma_wait3A_56 = arith.constant 128 : i32
    %dma_wait3A_57 = tpu.memref_slice %arg6[%dma_wait3A_40, %dma_wait3A_55, %dma_wait3A_56] : memref<2x80x384xf32, #tpu.memory_space<vmem>> -> memref<1x80x128xf32, #tpu.memory_space<vmem>>
    %dma_wait3A_58 = tpu.memref_squeeze %dma_wait3A_57 : memref<1x80x128xf32, #tpu.memory_space<vmem>> -> memref<80x128xf32, #tpu.memory_space<vmem>>
    tpu.wait_dma2 semaphore(%arg10 : memref<!tpu.dma_semaphore, #tpu.memory_space<semaphore_mem>>) src(%dma_wait3A_58 : memref<80x128xf32, #tpu.memory_space<vmem>>) dst(%dma_wait3A_54 : memref<80x128xf32, #tpu.memory_space<hbm>>)
    %dma_wait3A_59 = arith.constant 1 : i32
    %dma_wait3A_60 = arith.constant 0 : i32
    %dma_wait3A_61 = arith.constant 0 : i32
    %dma_wait3A_62 = tpu.memref_slice %arg7[%dma_wait3A_59, %dma_wait3A_60, %dma_wait3A_61] : memref<2x80x44xf32, #tpu.memory_space<vmem>> -> memref<1x80x44xf32, #tpu.memory_space<vmem>>
    %dma_wait3A_63 = tpu.memref_squeeze %dma_wait3A_62 : memref<1x80x44xf32, #tpu.memory_space<vmem>> -> memref<80x44xf32, #tpu.memory_space<vmem>>
    %dma_wait3A_64 = arith.constant 0 : i32
    %dma_wait3A_65 = tpu.memref_slice %arg4[%multiple_of3A_21, %dma_wait3A_64] : memref<204800x300xf32, #tpu.memory_space<hbm>> -> memref<80x300xf32, #tpu.memory_space<hbm>>
    %dma_wait3A_66 = arith.constant 0 : i32
    %dma_wait3A_67 = arith.constant 256 : i32
    %dma_wait3A_68 = tpu.memref_slice %dma_wait3A_65[%dma_wait3A_66, %dma_wait3A_67] : memref<80x300xf32, #tpu.memory_space<hbm>> -> memref<80x44xf32, #tpu.memory_space<hbm>>
    %dma_wait3A_69 = arith.constant 0 : i32
    %dma_wait3A_70 = tpu.memref_slice %arg4[%multiple_of3A_21, %dma_wait3A_69] : memref<204800x300xf32, #tpu.memory_space<hbm>> -> memref<80x300xf32, #tpu.memory_space<hbm>>
    %dma_wait3A_71 = arith.constant 0 : i32
    %dma_wait3A_72 = arith.constant 256 : i32
    %dma_wait3A_73 = tpu.memref_slice %dma_wait3A_70[%dma_wait3A_71, %dma_wait3A_72] : memref<80x300xf32, #tpu.memory_space<hbm>> -> memref<80x44xf32, #tpu.memory_space<hbm>>
    %dma_wait3A_74 = arith.constant 0 : i32
    %dma_wait3A_75 = arith.constant 0 : i32
    %dma_wait3A_76 = tpu.memref_slice %arg7[%dma_wait3A_59, %dma_wait3A_74, %dma_wait3A_75] : memref<2x80x44xf32, #tpu.memory_space<vmem>> -> memref<1x80x44xf32, #tpu.memory_space<vmem>>
    %dma_wait3A_77 = tpu.memref_squeeze %dma_wait3A_76 : memref<1x80x44xf32, #tpu.memory_space<vmem>> -> memref<80x44xf32, #tpu.memory_space<vmem>>
    tpu.wait_dma2 semaphore(%arg10 : memref<!tpu.dma_semaphore, #tpu.memory_space<semaphore_mem>>) src(%dma_wait3A_77 : memref<80x44xf32, #tpu.memory_space<vmem>>) dst(%dma_wait3A_73 : memref<80x44xf32, #tpu.memory_space<hbm>>)
    return
  }
}

</mosaic_0001>

<sc_bundles>
// kernel: kernel.3.cloned.1.call-start
scs
__scs_entry_jumppad:
0x0: {  	(pc) =	sbr.rel $0x88, $3  }
0x1: {  	(tag) =	ssettag $0x0;
	lr =	simm.s32 $0x1  }
0x2: {  	[smem:$0x3F9F] =	sst lr;
	_ =	strace $0xD0000000  }
0x3: {  	_ = 	snop  }
0x4: {  	_ = 	snop  }
0x5: {  	_ = 	snop  }
0x6: {  	_ = 	snop  }
0x7: {  	_ = 	snop  }
__scs_overlays_trampoline_lowered:
0x8: {  	[smem:$0x3FAE] =	sst s0  }
0x9: {  	[smem:$0x3FAF] =	sst s1  }
0xa: {  	[smem:$0x3FB0] =	sst s2  }
0xb: {  	[smem:$0x3FB1] =	sst s3  }
0xc: {  	[smem:$0x3FB2] =	sst s4  }
0xd: {  	[smem:$0x3FB3] =	sst s5  }
0xe: {  	[smem:$0x3FB4] =	sst s6  }
0xf: {  	[smem:$0x3FB5] =	sst s7  }
0x10: {  	[smem:$0x3FB6] =	sst s8  }
0x11: {  	[smem:$0x3FB7] =	sst s9;
	s0 =	simm.s32 @!p0 $0x0  }
0x12: {  	s1 =	sld [smem:$0x3F9D];
	s0 =	simm.s32 @p0 $0x1  }
0x13: {  	[smem:$0x3FB8] =	sst s0;
	s0 =	simm.s32 @!p1 $0x0  }
0x14: {  	s2 =	sld [smem:$0x3F9C];
	s0 =	simm.s32 @p1 $0x1  }
0x15: {  	[smem:$0x3FB9] =	sst s0;
	s0 =	simm.s32 @!p2 $0x0  }
0x16: {  	s3 =	sld [smem:$0x3FDB];
	s0 =	simm.s32 @p2 $0x1  }
0x17: {  	s4 =	simm.s32 $0x1BF5;
	[smem:$0x3FBB] =	sst s0  }
0x18: {  	s0 =	sld [smem:$0x3F9E];
	_ =	swait.ge [sflag:s4], $0x0  }
0x19: {  	s7 =	sld [smem:$0x3F9F]  }
0x1a: {  	s8 =	sadd.s32 $0xFFFFE003, lr  }
0x1b: {  	s9 =	sadd.s32 $0xFFFFFEF7, lr;
	s5 =	simm.s32 $0xFFFFFFFF;
	p2 =	slt.u32 s8, $0xFFFFF086  }
0x1c: {  	p1 =	slt.u32 s9, $0xF7A;
	s5 =	simm.s32 @!p2 $0x0  }
0x1d: {  	s5 =	simm.s32 @p1 $0x1;
	p0 =	seq.s32 s7, s2  }
0x1e: {  	s7 =	smul.u32 @!p0 $0xF7A, s2;
	p2 =	seq.s32 @!p0 s5, $0x0  }
0x1f: {  	s9 =	smul.u32 $0xF7A, s1;
	s8 =	simm.s32 @!p0 $0x1BF5;
	p2 =	por !p2, p0  }
0x20: {  	[sflag:s8] =	ssyncset.s32 @!p0 $0xFFFFF086;
	s6 =	sadd.s32 @!p0 s3, s7;
	s7 =	simm.s32 @!p0 $0x108  }
0x21: {  	s3 =	sadd.s32 s3, s9;
	s6 =	sadd.s32 @!p0 $0x88, s6;
	s7 =	simm.s32 @p2 $0x1082  }
0x22: {  	[simem:s7], [sflag:s8] =	dma.local @!p0 [hbm:s6], $0xF7A  }
0x23: {  	s9 =	sor.u32 $0xD0000000, s2;
	s6 =	simm.s32 $0x108;
	_ =	swait.ge @!p0 [sflag:s8], $0x0  }
0x24: {  	s3 =	sadd.s32 $0x88, s3;
	s6 =	simm.s32 @!p1 $0x1082;
	[sflag:s4] =	ssyncset.s32 $0xFFFFF086  }
0x25: {  	[simem:s6], [sflag:s4] =	dma.local [hbm:s3], $0xF7A  }
0x26: {  	[smem:$0x3F9F] =	sst s1;
	(tag) =	ssettag s2;
	_ =	strace s9  }
0x27: {  	s1 =	sld [smem:$0x3FAF]  }
0x28: {  	s2 =	sld [smem:$0x3FB0]  }
0x29: {  	s4 =	sld [smem:$0x3FB2]  }
0x2a: {  	p0 =	seq.s32 s5, $0x0;
	s5 =	sld [smem:$0x3FB3]  }
0x2b: {  	s6 =	sld [smem:$0x3FB4]  }
0x2c: {  	s7 =	sld [smem:$0x3FB5]  }
0x2d: {  	s3 =	simm.s32 $0x108;
	s8 =	sld [smem:$0x3FB6]  }
0x2e: {  	s3 =	simm.s32 @!p0 $0x1082;
	s9 =	sld [smem:$0x3FB7]  }
0x2f: {  	lr =	sadd.s32 s0, s3;
	s0 =	sld [smem:$0x3FAE]  }
0x30: {  	s3 =	sld [smem:$0x3FB1]  }
0x31: {  	[smem:$0x3FBA] =	sst s10  }
0x32: {  	s10 =	sld [smem:$0x3FB8];
	_ =	sdelay $0x3  }
0x33: {  	p0 =	seq.s32 s10, $0x1;
	s10 =	sld [smem:$0x3FBA];
	_ =	sdelay $0x3  }
0x34: {  	[smem:$0x3FBA] =	sst s10  }
0x35: {  	s10 =	sld [smem:$0x3FB9];
	_ =	sdelay $0x3  }
0x36: {  	p1 =	seq.s32 s10, $0x1;
	s10 =	sld [smem:$0x3FBA];
	_ =	sdelay $0x3  }
0x37: {  	[smem:$0x3FBA] =	sst s10  }
0x38: {  	s10 =	sld [smem:$0x3FBB]  }
0x39: {  	_ = 	snop;
	(pc) =	sbr.ind lr, $3  }
0x3a: {  	_ = 	snop  }
0x3b: {  	_ = 	snop  }
0x3c: {  	p2 =	seq.s32 s10, $0x1;
	s10 =	sld [smem:$0x3FBA]  }
0x3d: {  	_ =	shalt  }
0x3e: {  	_ =	shalt  }
0x3f: {  	_ =	shalt  }
0x40: {  	_ =	shalt  }
0x41: {  	_ =	shalt  }
0x42: {  	_ =	shalt  }
0x43: {  	_ =	shalt  }
0x44: {  	_ =	shalt  }
0x45: {  	_ =	shalt  }
0x46: {  	_ =	shalt  }
0x47: {  	_ =	shalt  }
0x48: {  	_ =	shalt  }
0x49: {  	_ =	shalt  }
0x4a: {  	_ =	shalt  }
0x4b: {  	_ =	shalt  }
0x4c: {  	_ =	shalt  }
0x4d: {  	_ =	shalt  }
0x4e: {  	_ =	shalt  }
0x4f: {  	_ =	shalt  }
0x50: {  	_ =	shalt  }
0x51: {  	_ =	shalt  }
0x52: {  	_ =	shalt  }
0x53: {  	_ =	shalt  }
0x54: {  	_ =	shalt  }
0x55: {  	_ =	shalt  }
0x56: {  	_ =	shalt  }
0x57: {  	_ =	shalt  }
0x58: {  	_ =	shalt  }
0x59: {  	_ =	shalt  }
0x5a: {  	_ =	shalt  }
0x5b: {  	_ =	shalt  }
0x5c: {  	_ =	shalt  }
0x5d: {  	_ =	shalt  }
0x5e: {  	_ =	shalt  }
0x5f: {  	_ =	shalt  }
0x60: {  	_ =	shalt  }
0x61: {  	_ =	shalt  }
0x62: {  	_ =	shalt  }
0x63: {  	_ =	shalt  }
0x64: {  	_ =	shalt  }
0x65: {  	_ =	shalt  }
0x66: {  	_ =	shalt  }
0x67: {  	_ =	shalt  }
0x68: {  	_ =	shalt  }
0x69: {  	_ =	shalt  }
0x6a: {  	_ =	shalt  }
0x6b: {  	_ =	shalt  }
0x6c: {  	_ =	shalt  }
0x6d: {  	_ =	shalt  }
0x6e: {  	_ =	shalt  }
0x6f: {  	_ =	shalt  }
0x70: {  	_ =	shalt  }
0x71: {  	_ =	shalt  }
0x72: {  	_ =	shalt  }
0x73: {  	_ =	shalt  }
0x74: {  	_ =	shalt  }
0x75: {  	_ =	shalt  }
0x76: {  	_ =	shalt  }
0x77: {  	_ =	shalt  }
0x78: {  	_ =	shalt  }
0x79: {  	_ =	shalt  }
0x7a: {  	_ =	shalt  }
0x7b: {  	_ =	shalt  }
0x7c: {  	_ =	shalt  }
0x7d: {  	_ =	shalt  }
0x7e: {  	_ =	shalt  }
0x7f: {  	_ =	shalt  }
0x80: {  	_ =	shalt  }
0x81: {  	_ =	shalt  }
0x82: {  	_ =	shalt  }
0x83: {  	_ =	shalt  }
0x84: {  	_ =	shalt  }
0x85: {  	_ =	shalt  }
0x86: {  	_ =	shalt  }
0x87: {  	_ =	shalt  }
.Lfunc_end0:
.L_simem_size_0:
called_computation.1_lowered:
.L_overlay_start_0:
0x88: {  	s2 =	sld [smem:$0x3FD9]  }
0x89: {  	s3 =	sld [smem:$0x3FFE];
	_ =	sdelay $0x1  }
0x8a: {  	s1 =	srdreg.scid  }
0x8b: {  	s0 =	sand.u32 $0x1, s1  }
0x8c: {  	s17 =	sshll.u32 s0, $0xA;
	s2 =	sadd.s32 s3, s2  }
0x8d: {  	s2 =	sadd.s32 s2, s17  }
0x8e: {  	[smem:$0x3FC6] =	sst s2  }
0x8f: {  	_ = 	snop  }
0x90: {  	s2 =	sld [smem:$0x3FD0];
	(tm) =	ssettm $0x1  }
0x91: {  	s18 =	sld [smem:$0x3FFB];
	_ =	sdelay $0x3  }
0x92: {  	_ =	strace s18  }
0x93: {  	s3 =	sld [smem:$0x3FFC];
	_ =	sdelay $0x3  }
0x94: {  	_ =	strace s3  }
0x95: {  	s3 =	sld [smem:$0x3FFD];
	_ =	sdelay $0x3  }
0x96: {  	_ =	strace s3  }
0x97: {  	_ =	strace $0x8FFFFFFF  }
0x98: {  	s19 =	sld [smem:$0x3FDB];
	_ =	sdelay $0x1  }
0x99: {  	s4 =	simm.s32 $_scs_section_size  }
0x9a: {  	s5 =	simm.s32 $_size__tile_overlayer_lowered;
	s6 =	simm.s32 $_tile_overlayer_lowered  }
0x9b: {  	s22 =	simm.s32 $0x1BFF;
	s21 =	sshll.u32 s6, $0x1;
	s3 =	sadd.s32 s4, s19  }
0x9c: {  	s7 =	simm.s32 $0x0;
	s20 =	sshll.u32 s5, $0x1;
	s5 =	sadd.s32 s21, s3  }
0x9d: {  	[timem:s7], [sflag:s22] =	dma.local [hbm:s5], s20  }
0x9e: {  	_ =	swait.ge [sflag:s22], s20  }
0x9f: {  	s4 =	ssub.s32 $0x0, s20;
	[sflag:s22] =	ssyncset.done $0x0  }
0xa0: {  	[sflag:s22] =	ssyncadd.s32 s4;
	_ =	sdelay $0x1  }
0xa1: {  	s23 =	simm.s32 $0x1B8B  }
0xa2: {  	_ =	swait.ge [sflag:s23], $0x1  }
0xa3: {  	[sflag:s23] =	ssyncset.done $0x0  }
0xa4: {  	s25 =	simm.s32 $0x1B8E;
	s24 =	sld [smem:$0x3FFE];
	[sflag:s23] =	ssyncadd.s32 $0xFFFFFFFF  }
0xa5: {  	s26 =	simm.s32 $execute0_lowered;
	[smem:$0x3FD2] =	sst s25  }
0xa6: {  	s5 =	sshll.u32 s26, $0x1;
	_ =	strace $0x80000046;
	[dreg:$0x1] =	wrdreg $0xFFFFFFFF  }
0xa7: {  	s28 =	simm.s32 $_size_execute0_lowered;
	s3 =	sadd.s32 s3, s5;
	[dreg:$0x0] =	wrdreg $0x0  }
0xa8: {  	s5 =	sshll.u32 s28, $0x1;
	[dreg:$0x2] =	wrdreg s3  }
0xa9: {  	[dreg:$0x3] =	wrdreg s5  }
0xaa: {  	[dreg:$0x4] =	wrdreg $0xC0  }
0xab: {  	_ =	task [dreg:s7], $0x5FFFF  }
0xac: {  	[dreg:$0x1] =	wrdreg $0xFFFFFFFF  }
0xad: {  	[dreg:$0x0] =	wrdreg $0x60  }
0xae: {  	[dreg:$0x2] =	wrdreg s24  }
0xaf: {  	[dreg:$0x3] =	wrdreg s2  }
0xb0: {  	[dreg:$0x4] =	wrdreg $0x9  }
0xb1: {  	_ =	task.clear_ibuf [dreg:s7], $0x5FFFF;
	_ =	strace $0x90000046  }
0xb2: {  	s29 =	simm.s32 $0x9;
	_ =	strace $0x80000048  }
0xb3: {  	_ =	swait.ge [sflag:s29], $0x1  }
0xb4: {  	[sflag:s29] =	ssyncadd.s32 $0xFFFFFFFF  }
0xb5: {  	_ =	strace $0x90000048  }
0xb6: {  	_ =	sfence  }
0xb7: {  	s30 =	sld [smem:$0x0];
	_ =	sdelay $0x2  }
0xb8: {  	s31 =	sshll.u32 s1, $0xD;
	s1 =	sshrl.u32 s1, $0x2  }
0xb9: {  	s3 =	sand.u32 $0x4000, s31;
	s1 =	sadd.s32 s1, s30  }
0xba: {  	s0 =	sor.u32 s3, s0;
	s1 =	sshll.u32 s1, $0x11  }
0xbb: {  	s0 =	sor.u32 s1, s0  }
0xbc: {  	s0 =	sadd.s32 $0x8F2B, s0  }
0xbd: {  	[sflag:s0] =	ssyncadd.remote.s32 $0x1  }
0xbe: {  	_ =	sfence.sel $0xFFFF  }
0xbf: {  	[dreg:$0x0] =	wrdreg $0xFFFFFFFF;
	(pc) =	sbr.abs _section_cstart, $3  }
0xc0: {  	[dreg:$0x1] =	wrdreg $0xFFFFFFFF  }
0xc1: {  	_ =	task.clear_ibuf [dreg:s7], $0x2FFFF;
	_ =	strace $0x9FFFFFFF  }
0xc2: {  	(tm) =	ssettm $0x7FFFFFFF  }
0xc3: {  	_ =	shalt  }
tec
execute0_lowered:
.L_overlay_start_1:
0x0: {  	(tag) =	ssettag $0x1  }
0x1: {  	s0 =	srdreg.scid  }
0x2: {  	s2 =	stileid.u32;
	s1 =	rddreg [dreg:$0x0]  }
0x3: {  	s20 =	simm.s32 $0x6400;
	s22 =	simm.s32 $0x7000;
	s24 =	simm.s32 $0x7C00  }
0x4: {  	s29 =	simm.s32 $0x9400;
	s31 =	simm.s32 $0x1;
	s9 =	simm.s32 $0xB800  }
0x5: {  	s13 =	simm.s32 $0xC400;
	s17 =	simm.s32 $0xD000;
	s21 =	simm.s32 $0xDC00  }
0x6: {  	s25 =	simm.s32 $0xE800;
	s30 =	simm.s32 $0xF400;
	s8 =	simm.s32 $0x10000  }
0x7: {  	s15 =	simm.s32 $0x10C00;
	s23 =	simm.s32 $0x400;
	s28 =	simm.s32 $0xC00  }
0x8: {  	v0 =	vimm.s32 $0xBA987654;
	v1 =	vimm.s32 $0x3210FEDC;
	s11 =	simm.s32 $0x2;
	s0 =	sand.u32 $0x1, s0;
	s3 =	sshll.u32 s2, $0x1  }
0x9: {  	s12 =	simm.s32 $0x0;
	s2 =	rddreg [dreg:$0x1];
	v0 =	vunpack.c.l.s4.s8 v0;
	v1 =	vunpack.c.l.s4.s8 v1;
	s5 =	sor.u32 s0, s3  }
0xa: {  	s3 =	simm.s32 $0x0;
	s0 =	ssub.s32 $0x2, s0;
	s4 =	smul.u32 $0x500, s5  }
0xb: {  	[smem:$0x7FF] =	sst s3;
	s7 =	sshrl.u32 s0, $0x1;
	s5 =	smul.u32 $0x1900, s5;
	v2 =	vunpack.c.0.s8.s32 v0;
	v1 =	vunpack.c.0.s8.s32 v1  }
0xc: {  	v3 =	vlaneseq.u32;
	_ =	strace $0x80000047;
	s0 =	ssub.s32 s0, s7;
	s7 =	sadd.s32 $0x100, s2  }
0xd: {  	vm0 =	vmmov $0xffff;
	vm1 =	vmmov $0xff;
	s6 =	sadd.s32 s4, s1;
	s4 =	sadd.s32 $0xA800, s1;
	s0 =	smax.u32 s0, $0x1;
	v5 =	vcombine.low v1, v2  }
0xe: {  	vm2 =	vmmov $0xf;
	v4 =	vshrl.u32 v3, $0x3;
	v0 =	vand.u32 $0x7, v3;
	s1 =	simm.s32 $0xA000;
	s26 =	sadd.s32 $0x800, s6;
	[dreg:$0x4] =	wrdreg s0  }
0xf: {  	v1 =	vmul.u32 $0x8, v4;
	v2 =	vor.u32 $0x8, v3;
	s6 =	simm.s32 $0xAC00;
	[dreg:$0x3] =	wrdreg s26;
	s26 =	simm.s32 $0x8800;
	v3 =	vand.u32 $0xF, v5  }
.LBB2_1:
0x10: {  	[dreg:$0x5] =	wrdreg s12  }
0x11: {  	s0 =	rddreg [dreg:$0x3];
	s14 =	simm.s32 $0x4  }
0x12: {  	[tilespmem:s3], [sflag:$0x4] =	stream.linear.gather [hbm4b:s0+s3], $0x2800, $0x38;
	[tilespmem:$0x16800] =	vst v63  }
0x13: {  	_ =	swait.ge [sflag:s14], $0x2800  }
0x14: {  	[sflag:s14] =	ssyncset.done $0x0  }
0x15: {  	[sflag:s14] =	ssyncadd.s32 $0xFFFFD800  }
0x16: {  	v4 =	vld [tilespmem:$0x0];
	_ =	sdelay $0x4  }
0x17: {  	v5 =	vshrl.u32 v4, $0x3  }
0x18: {  	v5 =	vmul.u32 $0x18, v5  }
0x19: {  	v4 =	vand.u32 $0x7, v4  }
0x1a: {  	v4 =	vor.u32 v4, v5  }
0x1b: {  	v5 =	vperm.xlane v4, v0;
	_ =	sdelay $0x1  }
0x1c: {  	v5 =	vadd.s32 v1, v5;
	_ =	sdelay $0x1  }
0x1d: {  	v4 =	vperm.xlane v4, v2;
	_ =	sdelay $0x1  }
0x1e: {  	s16 =	simm.s32 $0x2800;
	v4 =	vadd.s32 v1, v4  }
0x1f: {  	[tilespmem:s16], [sflag:$0x1] =	stream.indirect_vreg.gather [hbm4b:s2+s3], $0x80, v5, vm0, $0xb8;
	[tilespmem:$0x16800] =	vst v63  }
0x20: {  	s18 =	simm.s32 $0x3000  }
0x21: {  	[tilespmem:s18], [sflag:$0x1] =	stream.indirect_vreg.gather [hbm4b:s7+s3], $0x80, v5, vm1, $0xb8;
	[tilespmem:$0x16800] =	vst v63  }
0x22: {  	s19 =	simm.s32 $0x3400  }
0x23: {  	[tilespmem:s19], [sflag:$0x1] =	stream.indirect_vreg.gather [hbm4b:s2+s3], $0x80, v4, vm0, $0xb8;
	[tilespmem:$0x16800] =	vst v63  }
0x24: {  	s10 =	simm.s32 $0x3C00  }
0x25: {  	[tilespmem:s10], [sflag:$0x1] =	stream.indirect_vreg.gather [hbm4b:s7+s3], $0x80, v4, vm1, $0xb8;
	[tilespmem:$0x16800] =	vst v63  }
0x26: {  	v4 =	vld [tilespmem:$0x10];
	_ =	sdelay $0x4  }
0x27: {  	v5 =	vshrl.u32 v4, $0x3  }
0x28: {  	v5 =	vmul.u32 $0x18, v5  }
0x29: {  	v4 =	vand.u32 $0x7, v4  }
0x2a: {  	v4 =	vor.u32 v4, v5  }
0x2b: {  	v5 =	vperm.xlane v4, v0;
	_ =	sdelay $0x1  }
0x2c: {  	v5 =	vadd.s32 v1, v5;
	_ =	sdelay $0x1  }
0x2d: {  	v4 =	vperm.xlane v4, v2;
	_ =	sdelay $0x1  }
0x2e: {  	s12 =	simm.s32 $0x4000;
	v4 =	vadd.s32 v1, v4  }
0x2f: {  	[tilespmem:s12], [sflag:$0x1] =	stream.indirect_vreg.gather [hbm4b:s2+s3], $0x80, v5, vm0, $0xb8;
	[tilespmem:$0x16800] =	vst v63  }
0x30: {  	s14 =	simm.s32 $0x4800  }
0x31: {  	[tilespmem:s14], [sflag:$0x1] =	stream.indirect_vreg.gather [hbm4b:s7+s3], $0x80, v5, vm1, $0xb8;
	[tilespmem:$0x16800] =	vst v63  }
0x32: {  	s16 =	simm.s32 $0x4C00  }
0x33: {  	[tilespmem:s16], [sflag:$0x1] =	stream.indirect_vreg.gather [hbm4b:s2+s3], $0x80, v4, vm0, $0xb8;
	[tilespmem:$0x16800] =	vst v63  }
0x34: {  	s18 =	simm.s32 $0x5400  }
0x35: {  	[tilespmem:s18], [sflag:$0x1] =	stream.indirect_vreg.gather [hbm4b:s7+s3], $0x80, v4, vm1, $0xb8;
	[tilespmem:$0x16800] =	vst v63  }
0x36: {  	v4 =	vld [tilespmem:$0x20];
	_ =	sdelay $0x4  }
0x37: {  	v5 =	vshrl.u32 v4, $0x3  }
0x38: {  	v5 =	vmul.u32 $0x18, v5  }
0x39: {  	v4 =	vand.u32 $0x7, v4  }
0x3a: {  	v4 =	vor.u32 v4, v5  }
0x3b: {  	v5 =	vperm.xlane v4, v0;
	_ =	sdelay $0x1  }
0x3c: {  	v5 =	vadd.s32 v1, v5;
	_ =	sdelay $0x1  }
0x3d: {  	v4 =	vperm.xlane v4, v2;
	_ =	sdelay $0x1  }
0x3e: {  	s19 =	simm.s32 $0x5800;
	v4 =	vadd.s32 v1, v4  }
0x3f: {  	[tilespmem:s19], [sflag:$0x1] =	stream.indirect_vreg.gather [hbm4b:s2+s3], $0x80, v5, vm0, $0xb8;
	[tilespmem:$0x16800] =	vst v63  }
0x40: {  	s10 =	simm.s32 $0x6000  }
0x41: {  	[tilespmem:s10], [sflag:$0x1] =	stream.indirect_vreg.gather [hbm4b:s7+s3], $0x80, v5, vm1, $0xb8;
	[tilespmem:$0x16800] =	vst v63  }
0x42: {  	_ = 	snop  }
0x43: {  	[tilespmem:s20], [sflag:$0x1] =	stream.indirect_vreg.gather [hbm4b:s2+s3], $0x80, v4, vm0, $0xb8;
	[tilespmem:$0x16800] =	vst v63  }
0x44: {  	s12 =	simm.s32 $0x6C00  }
0x45: {  	[tilespmem:s12], [sflag:$0x1] =	stream.indirect_vreg.gather [hbm4b:s7+s3], $0x80, v4, vm1, $0xb8;
	[tilespmem:$0x16800] =	vst v63  }
0x46: {  	v4 =	vld [tilespmem:$0x30];
	_ =	sdelay $0x4  }
0x47: {  	v5 =	vshrl.u32 v4, $0x3  }
0x48: {  	v5 =	vmul.u32 $0x18, v5  }
0x49: {  	v4 =	vand.u32 $0x7, v4  }
0x4a: {  	v4 =	vor.u32 v4, v5  }
0x4b: {  	v5 =	vperm.xlane v4, v0;
	_ =	sdelay $0x1  }
0x4c: {  	v5 =	vadd.s32 v1, v5;
	_ =	sdelay $0x1  }
0x4d: {  	v4 =	vperm.xlane v4, v2;
	_ =	sdelay $0x1  }
0x4e: {  	v4 =	vadd.s32 v1, v4  }
0x4f: {  	[tilespmem:s22], [sflag:$0x1] =	stream.indirect_vreg.gather [hbm4b:s2+s3], $0x80, v5, vm0, $0xb8;
	[tilespmem:$0x16800] =	vst v63  }
0x50: {  	s14 =	simm.s32 $0x7800  }
0x51: {  	[tilespmem:s14], [sflag:$0x1] =	stream.indirect_vreg.gather [hbm4b:s7+s3], $0x80, v5, vm1, $0xb8;
	[tilespmem:$0x16800] =	vst v63  }
0x52: {  	_ = 	snop  }
0x53: {  	[tilespmem:s24], [sflag:$0x1] =	stream.indirect_vreg.gather [hbm4b:s2+s3], $0x80, v4, vm0, $0xb8;
	[tilespmem:$0x16800] =	vst v63  }
0x54: {  	s16 =	simm.s32 $0x8400  }
0x55: {  	[tilespmem:s16], [sflag:$0x1] =	stream.indirect_vreg.gather [hbm4b:s7+s3], $0x80, v4, vm1, $0xb8;
	[tilespmem:$0x16800] =	vst v63  }
0x56: {  	v4 =	vld [tilespmem:$0x40];
	_ =	sdelay $0x4  }
0x57: {  	v5 =	vshrl.u32 v4, $0x3  }
0x58: {  	v5 =	vmul.u32 $0x18, v5  }
0x59: {  	v4 =	vand.u32 $0x7, v4  }
0x5a: {  	v4 =	vor.u32 v4, v5  }
0x5b: {  	v5 =	vperm.xlane v4, v0;
	_ =	sdelay $0x1  }
0x5c: {  	v5 =	vadd.s32 v1, v5;
	_ =	sdelay $0x1  }
0x5d: {  	v4 =	vperm.xlane v4, v2;
	_ =	sdelay $0x1  }
0x5e: {  	v4 =	vadd.s32 v1, v4  }
0x5f: {  	[tilespmem:s26], [sflag:$0x1] =	stream.indirect_vreg.gather [hbm4b:s2+s3], $0x80, v5, vm0, $0xb8;
	[tilespmem:$0x16800] =	vst v63  }
0x60: {  	s18 =	simm.s32 $0x9000  }
0x61: {  	[tilespmem:s18], [sflag:$0x1] =	stream.indirect_vreg.gather [hbm4b:s7+s3], $0x80, v5, vm1, $0xb8;
	[tilespmem:$0x16800] =	vst v63  }
0x62: {  	_ = 	snop  }
0x63: {  	[tilespmem:s29], [sflag:$0x1] =	stream.indirect_vreg.gather [hbm4b:s2+s3], $0x80, v4, vm0, $0xb8;
	[tilespmem:$0x16800] =	vst v63  }
0x64: {  	s0 =	simm.s32 $0x0;
	s19 =	simm.s32 $0x9C00  }
0x65: {  	[tilespmem:s19], [sflag:$0x1] =	stream.indirect_vreg.gather [hbm4b:s7+s3], $0x80, v4, vm1, $0xb8;
	[tilespmem:$0x16800] =	vst v63  }
.LBB2_2:
0x66: {  	_ =	swait.ge [sflag:s31], $0x7800  }
0x67: {  	p0 =	seq.s32 s0, $0x0;
	[sflag:s31] =	ssyncset.done $0x0  }
0x68: {  	s10 =	simm.s32 @!p0 $0x3;
	[sflag:s31] =	ssyncadd.s32 $0xFFFF8800  }
0x69: {  	_ =	swait.ge @!p0 [sflag:s10], $0x2800  }
0x6a: {  	[sflag:s10] =	ssyncset.done @!p0 $0x0  }
0x6b: {  	[sflag:s10] =	ssyncadd.s32 @!p0 $0xFFFFD800  }
0x6c: {  	_ =	swait.ge @!p0 [sflag:s10], $0x2800  }
0x6d: {  	[sflag:s10] =	ssyncset.done @!p0 $0x0  }
0x6e: {  	[sflag:s10] =	ssyncadd.s32 @!p0 $0xFFFFD800  }
0x6f: {  	s19 =	sshllo.u32 s0, $0x1;
	_ =	swait.ge @!p0 [sflag:s10], $0x2800  }
0x70: {  	s12 =	sshll.u32 s19, $0x7;
	[sflag:s10] =	ssyncset.done @!p0 $0x0  }
0x71: {  	[sflag:s10] =	ssyncadd.s32 @!p0 $0xFFFFD800;
	s10 =	sand.u32 $0x3FFFFF80, s12  }
0x72: {  	v4 =	vld [tilespmem:s10+$0x0];
	_ =	sdelay $0x4  }
0x73: {  	v5 =	vshrl.u32 v4, $0x3  }
0x74: {  	v5 =	vmul.u32 $0x18, v5  }
0x75: {  	v4 =	vand.u32 $0x7, v4  }
0x76: {  	v4 =	vor.u32 v4, v5  }
0x77: {  	v5 =	vperm.xlane v4, v0;
	_ =	sdelay $0x1  }
0x78: {  	v5 =	vadd.s32 v1, v5;
	_ =	sdelay $0x1  }
0x79: {  	v4 =	vperm.xlane v4, v2;
	_ =	sdelay $0x1  }
0x7a: {  	v4 =	vadd.s32 v1, v4  }
0x7b: {  	[tilespmem:s1], [sflag:$0x1] =	stream.indirect_vreg.gather [hbm4b:s2+s3], $0x80, v5, vm0, $0xb8;
	[tilespmem:$0x16800] =	vst v63  }
0x7c: {  	s16 =	simm.s32 $0xA800  }
0x7d: {  	[tilespmem:s16], [sflag:$0x1] =	stream.indirect_vreg.gather [hbm4b:s7+s3], $0x80, v5, vm1, $0xb8;
	[tilespmem:$0x16800] =	vst v63  }
0x7e: {  	_ = 	snop  }
0x7f: {  	[tilespmem:s6], [sflag:$0x1] =	stream.indirect_vreg.gather [hbm4b:s2+s3], $0x80, v4, vm0, $0xb8;
	[tilespmem:$0x16800] =	vst v63  }
0x80: {  	s18 =	simm.s32 $0xB400  }
0x81: {  	[tilespmem:s18], [sflag:$0x1] =	stream.indirect_vreg.gather [hbm4b:s7+s3], $0x80, v4, vm1, $0xb8;
	[tilespmem:$0x16800] =	vst v63  }
0x82: {  	v4 =	vld [tilespmem:s10+$0x10];
	_ =	sdelay $0x4  }
0x83: {  	v5 =	vshrl.u32 v4, $0x3  }
0x84: {  	v5 =	vmul.u32 $0x18, v5  }
0x85: {  	v4 =	vand.u32 $0x7, v4  }
0x86: {  	v4 =	vor.u32 v4, v5  }
0x87: {  	v5 =	vperm.xlane v4, v0;
	_ =	sdelay $0x1  }
0x88: {  	v5 =	vadd.s32 v1, v5;
	_ =	sdelay $0x1  }
0x89: {  	v4 =	vperm.xlane v4, v2;
	_ =	sdelay $0x1  }
0x8a: {  	v4 =	vadd.s32 v1, v4  }
0x8b: {  	[tilespmem:s9], [sflag:$0x1] =	stream.indirect_vreg.gather [hbm4b:s2+s3], $0x80, v5, vm0, $0xb8;
	[tilespmem:$0x16800] =	vst v63  }
0x8c: {  	s14 =	simm.s32 $0xC000  }
0x8d: {  	[tilespmem:s14], [sflag:$0x1] =	stream.indirect_vreg.gather [hbm4b:s7+s3], $0x80, v5, vm1, $0xb8;
	[tilespmem:$0x16800] =	vst v63  }
0x8e: {  	_ = 	snop  }
0x8f: {  	[tilespmem:s13], [sflag:$0x1] =	stream.indirect_vreg.gather [hbm4b:s2+s3], $0x80, v4, vm0, $0xb8;
	[tilespmem:$0x16800] =	vst v63  }
0x90: {  	s16 =	simm.s32 $0xCC00  }
0x91: {  	[tilespmem:s16], [sflag:$0x1] =	stream.indirect_vreg.gather [hbm4b:s7+s3], $0x80, v4, vm1, $0xb8;
	[tilespmem:$0x16800] =	vst v63  }
0x92: {  	v4 =	vld [tilespmem:s10+$0x20];
	_ =	sdelay $0x4  }
0x93: {  	v5 =	vshrl.u32 v4, $0x3  }
0x94: {  	v5 =	vmul.u32 $0x18, v5  }
0x95: {  	v4 =	vand.u32 $0x7, v4  }
0x96: {  	v4 =	vor.u32 v4, v5  }
0x97: {  	v5 =	vperm.xlane v4, v0;
	_ =	sdelay $0x1  }
0x98: {  	v5 =	vadd.s32 v1, v5;
	_ =	sdelay $0x1  }
0x99: {  	v4 =	vperm.xlane v4, v2;
	_ =	sdelay $0x1  }
0x9a: {  	v4 =	vadd.s32 v1, v4  }
0x9b: {  	[tilespmem:s17], [sflag:$0x1] =	stream.indirect_vreg.gather [hbm4b:s2+s3], $0x80, v5, vm0, $0xb8;
	[tilespmem:$0x16800] =	vst v63  }
0x9c: {  	s18 =	simm.s32 $0xD800  }
0x9d: {  	[tilespmem:s18], [sflag:$0x1] =	stream.indirect_vreg.gather [hbm4b:s7+s3], $0x80, v5, vm1, $0xb8;
	[tilespmem:$0x16800] =	vst v63  }
0x9e: {  	_ = 	snop  }
0x9f: {  	[tilespmem:s21], [sflag:$0x1] =	stream.indirect_vreg.gather [hbm4b:s2+s3], $0x80, v4, vm0, $0xb8;
	[tilespmem:$0x16800] =	vst v63  }
0xa0: {  	s14 =	simm.s32 $0xE400  }
0xa1: {  	[tilespmem:s14], [sflag:$0x1] =	stream.indirect_vreg.gather [hbm4b:s7+s3], $0x80, v4, vm1, $0xb8;
	[tilespmem:$0x16800] =	vst v63  }
0xa2: {  	v4 =	vld [tilespmem:s10+$0x30];
	_ =	sdelay $0x4  }
0xa3: {  	v5 =	vshrl.u32 v4, $0x3  }
0xa4: {  	v5 =	vmul.u32 $0x18, v5  }
0xa5: {  	v4 =	vand.u32 $0x7, v4  }
0xa6: {  	v4 =	vor.u32 v4, v5  }
0xa7: {  	v5 =	vperm.xlane v4, v0;
	_ =	sdelay $0x1  }
0xa8: {  	v5 =	vadd.s32 v1, v5;
	_ =	sdelay $0x1  }
0xa9: {  	v4 =	vperm.xlane v4, v2;
	_ =	sdelay $0x1  }
0xaa: {  	v4 =	vadd.s32 v1, v4  }
0xab: {  	[tilespmem:s25], [sflag:$0x1] =	stream.indirect_vreg.gather [hbm4b:s2+s3], $0x80, v5, vm0, $0xb8;
	[tilespmem:$0x16800] =	vst v63  }
0xac: {  	s16 =	simm.s32 $0xF000  }
0xad: {  	[tilespmem:s16], [sflag:$0x1] =	stream.indirect_vreg.gather [hbm4b:s7+s3], $0x80, v5, vm1, $0xb8;
	[tilespmem:$0x16800] =	vst v63  }
0xae: {  	_ = 	snop  }
0xaf: {  	[tilespmem:s30], [sflag:$0x1] =	stream.indirect_vreg.gather [hbm4b:s2+s3], $0x80, v4, vm0, $0xb8;
	[tilespmem:$0x16800] =	vst v63  }
0xb0: {  	s18 =	simm.s32 $0xFC00  }
0xb1: {  	[tilespmem:s18], [sflag:$0x1] =	stream.indirect_vreg.gather [hbm4b:s7+s3], $0x80, v4, vm1, $0xb8;
	[tilespmem:$0x16800] =	vst v63  }
0xb2: {  	v4 =	vld [tilespmem:s10+$0x40];
	_ =	sdelay $0x4  }
0xb3: {  	v5 =	vshrl.u32 v4, $0x3  }
0xb4: {  	v5 =	vmul.u32 $0x18, v5  }
0xb5: {  	v4 =	vand.u32 $0x7, v4  }
0xb6: {  	v4 =	vor.u32 v4, v5  }
0xb7: {  	v5 =	vperm.xlane v4, v0;
	_ =	sdelay $0x1  }
0xb8: {  	v5 =	vadd.s32 v1, v5;
	_ =	sdelay $0x2  }
0xb9: {  	v4 =	vperm.xlane v4, v2  }
0xba: {  	s16 =	simm.s32 $0x0  }
0xbb: {  	v4 =	vadd.s32 v1, v4;
	[tilespmem:s8], [sflag:$0x1] =	stream.indirect_vreg.gather [hbm4b:s2+s3], $0x80, v5, vm0, $0xb8;
	[tilespmem:$0x16800] =	vst v63  }
0xbc: {  	s14 =	simm.s32 $0x10800;
	s10 =	smul.u32 $0x3000, s16  }
0xbd: {  	[tilespmem:s14], [sflag:$0x1] =	stream.indirect_vreg.gather [hbm4b:s7+s3], $0x80, v5, vm1, $0xb8;
	[tilespmem:$0x16800] =	vst v63  }
0xbe: {  	s10 =	sshra.s32 s10, $0x2;
	s14 =	simm.s32 $0x0  }
0xbf: {  	s12 =	sand.u32 $0x200, s14;
	s14 =	sadd.s32 $0x3000, s10  }
0xc0: {  	[tilespmem:s15], [sflag:$0x1] =	stream.indirect_vreg.gather [hbm4b:s2+s3], $0x80, v4, vm0, $0xb8;
	[tilespmem:$0x16800] =	vst v63  }
0xc1: {  	s18 =	simm.s32 $0x11400;
	s12 =	sor.u32 s12, s14  }
0xc2: {  	[tilespmem:s18], [sflag:$0x1] =	stream.indirect_vreg.gather [hbm4b:s7+s3], $0x80, v4, vm1, $0xb8;
	[tilespmem:$0x16800] =	vst v63  }
0xc3: {  	v4 =	vld [tilespmem:s12+$0x0];
	_ =	sdelay $0x3  }
0xc4: {  	s10 =	simm.s32 $0x11900  }
0xc5: {  	[tilespmem:s10+$0xFFFFFF00] =	vst v4  }
0xc6: {  	v4 =	vld [tilespmem:s12+$0x10];
	_ =	sdelay $0x4  }
0xc7: {  	s12 =	sor.u32 $0x20, s12;
	[tilespmem:s10+$0xFFFFFF10] =	vst v4  }
0xc8: {  	v5 =	vld.msk [tilespmem:s12+$0x0], $0xfff;
	_ =	sdelay $0x4  }
0xc9: {  	v4 =	vperm.xlane v4, v3;
	v5 =	vperm.xlane v5, v3  }
0xca: {  	s16 =	simm.s32 $0x80  }
0xcb: {  	s12 =	sand.u32 $0x280, s16;
	v4 =	vsel vm2, v4, v5  }
0xcc: {  	s12 =	sor.u32 s12, s14;
	[tilespmem:s10+$0xFFFFFF1C] =	vst v4  }
0xcd: {  	v4 =	vld [tilespmem:s12+$0x0];
	_ =	sdelay $0x4  }
0xce: {  	[tilespmem:s10+$0xFFFFFF80] =	vst v4  }
0xcf: {  	v4 =	vld [tilespmem:s12+$0x10];
	_ =	sdelay $0x4  }
0xd0: {  	s12 =	sor.u32 $0x20, s12;
	[tilespmem:s10+$0xFFFFFF90] =	vst v4  }
0xd1: {  	v5 =	vld.msk [tilespmem:s12+$0x0], $0xfff;
	_ =	sdelay $0x4  }
0xd2: {  	v4 =	vperm.xlane v4, v3;
	v5 =	vperm.xlane v5, v3  }
0xd3: {  	s18 =	simm.s32 $0x100  }
0xd4: {  	s12 =	sand.u32 $0x300, s18;
	v4 =	vsel vm2, v4, v5  }
0xd5: {  	s12 =	sor.u32 s12, s14;
	[tilespmem:s10+$0xFFFFFF9C] =	vst v4  }
0xd6: {  	v4 =	vld [tilespmem:s12+$0x0];
	_ =	sdelay $0x4  }
0xd7: {  	[tilespmem:s10+$0x0] =	vst v4  }
0xd8: {  	v4 =	vld [tilespmem:s12+$0x10];
	_ =	sdelay $0x4  }
0xd9: {  	s12 =	sor.u32 $0x20, s12;
	[tilespmem:s10+$0x10] =	vst v4  }
0xda: {  	v5 =	vld.msk [tilespmem:s12+$0x0], $0xfff;
	_ =	sdelay $0x4  }
0xdb: {  	v4 =	vperm.xlane v4, v3;
	v5 =	vperm.xlane v5, v3  }
0xdc: {  	s12 =	simm.s32 $0x180  }
0xdd: {  	s16 =	sand.u32 $0x380, s12;
	v4 =	vsel vm2, v4, v5  }
0xde: {  	s14 =	sor.u32 s16, s14;
	[tilespmem:s10+$0x1C] =	vst v4  }
0xdf: {  	v4 =	vld [tilespmem:s14+$0x0];
	_ =	sdelay $0x4  }
0xe0: {  	[tilespmem:s10+$0x80] =	vst v4  }
0xe1: {  	v4 =	vld [tilespmem:s14+$0x10];
	_ =	sdelay $0x4  }
0xe2: {  	s14 =	sor.u32 $0x20, s14;
	[tilespmem:s10+$0x90] =	vst v4  }
0xe3: {  	v4 =	vperm.xlane v4, v3;
	v5 =	vld.msk [tilespmem:s14+$0x0], $0xfff;
	s14 =	simm.s32 $0x0  }
.LBB2_3:
0xe4: {  	_ = 	snop  }
0xe5: {  	s14 =	sadd.s32 $0x4, s14  }
0xe6: {  	s16 =	sshrl.u32 s14, $0x3;
	p0 =	slt.u32 s14, $0x4C  }
0xe7: {  	s16 =	smul.u32 $0x3000, s16  }
0xe8: {  	s12 =	sadd.s32 $0x200, s12;
	v5 =	vperm.xlane v5, v3  }
0xe9: {  	s18 =	sadd.s32 $0xFFFFFE80, s12;
	s16 =	sshra.s32 s16, $0x2  }
0xea: {  	s18 =	sand.u32 $0x200, s18;
	s16 =	sadd.s32 $0x3000, s16;
	v4 =	vsel vm2, v4, v5  }
0xeb: {  	s18 =	sor.u32 s18, s16;
	[tilespmem:s10+$0x9C] =	vst v4  }
0xec: {  	v4 =	vld [tilespmem:s18+$0x0];
	_ =	sdelay $0x3  }
0xed: {  	s10 =	sadd.s32 $0x200, s10  }
0xee: {  	[tilespmem:s10+$0xFFFFFF00] =	vst v4  }
0xef: {  	v4 =	vld [tilespmem:s18+$0x10];
	_ =	sdelay $0x4  }
0xf0: {  	s18 =	sor.u32 $0x20, s18;
	[tilespmem:s10+$0xFFFFFF10] =	vst v4;
	v4 =	vperm.xlane v4, v3  }
0xf1: {  	v5 =	vld.msk [tilespmem:s18+$0x0], $0xfff;
	_ =	sdelay $0x4  }
0xf2: {  	v5 =	vperm.xlane v5, v3  }
0xf3: {  	s18 =	sadd.s32 $0xFFFFFF00, s12  }
0xf4: {  	s18 =	sand.u32 $0x280, s18;
	v4 =	vsel vm2, v4, v5  }
0xf5: {  	s18 =	sor.u32 s18, s16;
	[tilespmem:s10+$0xFFFFFF1C] =	vst v4  }
0xf6: {  	v4 =	vld [tilespmem:s18+$0x0];
	_ =	sdelay $0x4  }
0xf7: {  	[tilespmem:s10+$0xFFFFFF80] =	vst v4  }
0xf8: {  	v4 =	vld [tilespmem:s18+$0x10];
	_ =	sdelay $0x4  }
0xf9: {  	s18 =	sor.u32 $0x20, s18;
	[tilespmem:s10+$0xFFFFFF90] =	vst v4;
	v4 =	vperm.xlane v4, v3  }
0xfa: {  	v5 =	vld.msk [tilespmem:s18+$0x0], $0xfff;
	_ =	sdelay $0x4  }
0xfb: {  	v5 =	vperm.xlane v5, v3  }
0xfc: {  	s18 =	sadd.s32 $0xFFFFFF80, s12  }
0xfd: {  	s18 =	sand.u32 $0x300, s18;
	v4 =	vsel vm2, v4, v5  }
0xfe: {  	s18 =	sor.u32 s18, s16;
	[tilespmem:s10+$0xFFFFFF9C] =	vst v4  }
0xff: {  	v4 =	vld [tilespmem:s18+$0x0];
	_ =	sdelay $0x4  }
0x100: {  	[tilespmem:s10+$0x0] =	vst v4  }
0x101: {  	v4 =	vld [tilespmem:s18+$0x10];
	_ =	sdelay $0x4  }
0x102: {  	s18 =	sor.u32 $0x20, s18;
	[tilespmem:s10+$0x10] =	vst v4;
	v4 =	vperm.xlane v4, v3  }
0x103: {  	v5 =	vld.msk [tilespmem:s18+$0x0], $0xfff;
	_ =	sdelay $0x4  }
0x104: {  	v5 =	vperm.xlane v5, v3;
	_ =	sdelay $0x1  }
0x105: {  	s18 =	sand.u32 $0x380, s12;
	v4 =	vsel vm2, v4, v5  }
0x106: {  	s16 =	sor.u32 s18, s16;
	[tilespmem:s10+$0x1C] =	vst v4  }
0x107: {  	v4 =	vld [tilespmem:s16+$0x0];
	_ =	sdelay $0x4  }
0x108: {  	[tilespmem:s10+$0x80] =	vst v4  }
0x109: {  	v4 =	vld [tilespmem:s16+$0x10];
	_ =	sdelay $0x1  }
.Ltmp0:
0x10a: {  	(pc) =	sbr.rel @p0 .LBB2_3-.Ltmp0, $3  }
0x10b: {  	_ =	sdelay $0x1  }
0x10c: {  	s16 =	sor.u32 $0x20, s16;
	[tilespmem:s10+$0x90] =	vst v4;
	v4 =	vperm.xlane v4, v3  }
0x10d: {  	v5 =	vld.msk [tilespmem:s16+$0x0], $0xfff  }
0x10e: {  	_ = 	snop  }
0x10f: {  	s12 =	smul.u32 $0xA0, s0;
	_ =	sdelay $0x1  }
0x110: {  	s12 =	sadd.s32 s5, s12  }
0x111: {  	s12 =	sshrl.u32 s12, $0x3;
	v5 =	vperm.xlane v5, v3  }
0x112: {  	s12 =	smul.u32 $0x180, s12  }
0x113: {  	v4 =	vsel vm2, v4, v5  }
0x114: {  	s16 =	simm.s32 $0x2800;
	[tilespmem:s10+$0x9C] =	vst v4;
	s10 =	sadd.s32 s4, s12  }
0x115: {  	[hbm4b:s10+s3] =	stream.linear.scatter [tilespmem:s16], [sflag:$0x2], $0x400, $0x38;
	[tilespmem:$0x16800] =	vst v63  }
0x116: {  	s14 =	simm.s32 $0x3400;
	s18 =	sadd.s32 $0x180, s10  }
0x117: {  	[hbm4b:s18+s3] =	stream.linear.scatter [tilespmem:s14], [sflag:$0x2], $0x400, $0x38;
	[tilespmem:$0x16800] =	vst v63  }
0x118: {  	s16 =	sadd.s32 $0x300, s10;
	s18 =	simm.s32 $0x4000  }
0x119: {  	[hbm4b:s16+s3] =	stream.linear.scatter [tilespmem:s18], [sflag:$0x2], $0x400, $0x38;
	[tilespmem:$0x16800] =	vst v63  }
0x11a: {  	s16 =	sadd.s32 $0x480, s10;
	s18 =	simm.s32 $0x4C00  }
0x11b: {  	[hbm4b:s16+s3] =	stream.linear.scatter [tilespmem:s18], [sflag:$0x2], $0x400, $0x38;
	[tilespmem:$0x16800] =	vst v63  }
0x11c: {  	s14 =	sadd.s32 $0x600, s10;
	s16 =	simm.s32 $0x5800  }
0x11d: {  	[hbm4b:s14+s3] =	stream.linear.scatter [tilespmem:s16], [sflag:$0x2], $0x400, $0x38;
	[tilespmem:$0x16800] =	vst v63  }
0x11e: {  	s18 =	sadd.s32 $0x780, s10  }
0x11f: {  	[hbm4b:s18+s3] =	stream.linear.scatter [tilespmem:s20], [sflag:$0x2], $0x400, $0x38;
	[tilespmem:$0x16800] =	vst v63  }
0x120: {  	s14 =	sadd.s32 $0x900, s10  }
0x121: {  	[hbm4b:s14+s3] =	stream.linear.scatter [tilespmem:s22], [sflag:$0x2], $0x400, $0x38;
	[tilespmem:$0x16800] =	vst v63  }
0x122: {  	s16 =	sadd.s32 $0xA80, s10  }
0x123: {  	[hbm4b:s16+s3] =	stream.linear.scatter [tilespmem:s24], [sflag:$0x2], $0x400, $0x38;
	[tilespmem:$0x16800] =	vst v63  }
0x124: {  	s18 =	sadd.s32 $0xC00, s10  }
0x125: {  	[hbm4b:s18+s3] =	stream.linear.scatter [tilespmem:s26], [sflag:$0x2], $0x400, $0x38;
	[tilespmem:$0x16800] =	vst v63  }
0x126: {  	s14 =	sadd.s32 $0xD80, s10  }
0x127: {  	[hbm4b:s14+s3] =	stream.linear.scatter [tilespmem:s29], [sflag:$0x2], $0x400, $0x38;
	[tilespmem:$0x16800] =	vst v63  }
0x128: {  	s16 =	sadd.s32 $0x80, s10;
	s18 =	simm.s32 $0x2C00  }
0x129: {  	[hbm4b:s16+s3] =	stream.linear.scatter [tilespmem:s18], [sflag:$0x2], $0x400, $0x38;
	[tilespmem:$0x16800] =	vst v63  }
0x12a: {  	s16 =	sadd.s32 $0x200, s10;
	s18 =	simm.s32 $0x3800  }
0x12b: {  	[hbm4b:s16+s3] =	stream.linear.scatter [tilespmem:s18], [sflag:$0x2], $0x400, $0x38;
	[tilespmem:$0x16800] =	vst v63  }
0x12c: {  	s16 =	sadd.s32 $0x380, s10;
	s18 =	simm.s32 $0x4400  }
0x12d: {  	[hbm4b:s16+s3] =	stream.linear.scatter [tilespmem:s18], [sflag:$0x2], $0x400, $0x38;
	[tilespmem:$0x16800] =	vst v63  }
0x12e: {  	s16 =	sadd.s32 $0x500, s10;
	s18 =	simm.s32 $0x5000  }
0x12f: {  	[hbm4b:s16+s3] =	stream.linear.scatter [tilespmem:s18], [sflag:$0x2], $0x400, $0x38;
	[tilespmem:$0x16800] =	vst v63  }
0x130: {  	s16 =	sadd.s32 $0x680, s10;
	s18 =	simm.s32 $0x5C00  }
0x131: {  	[hbm4b:s16+s3] =	stream.linear.scatter [tilespmem:s18], [sflag:$0x2], $0x400, $0x38;
	[tilespmem:$0x16800] =	vst v63  }
0x132: {  	s16 =	sadd.s32 $0x800, s10;
	s18 =	simm.s32 $0x6800  }
0x133: {  	[hbm4b:s16+s3] =	stream.linear.scatter [tilespmem:s18], [sflag:$0x2], $0x400, $0x38;
	[tilespmem:$0x16800] =	vst v63  }
0x134: {  	s16 =	sadd.s32 $0x980, s10;
	s18 =	simm.s32 $0x7400  }
0x135: {  	[hbm4b:s16+s3] =	stream.linear.scatter [tilespmem:s18], [sflag:$0x2], $0x400, $0x38;
	[tilespmem:$0x16800] =	vst v63  }
0x136: {  	s16 =	sadd.s32 $0xB00, s10;
	s18 =	simm.s32 $0x8000  }
0x137: {  	[hbm4b:s16+s3] =	stream.linear.scatter [tilespmem:s18], [sflag:$0x2], $0x400, $0x38;
	[tilespmem:$0x16800] =	vst v63  }
0x138: {  	s16 =	sadd.s32 $0xC80, s10;
	s18 =	simm.s32 $0x8C00  }
0x139: {  	[hbm4b:s16+s3] =	stream.linear.scatter [tilespmem:s18], [sflag:$0x2], $0x400, $0x38;
	[tilespmem:$0x16800] =	vst v63  }
0x13a: {  	s14 =	sadd.s32 $0xE00, s10;
	s16 =	simm.s32 $0x9800  }
0x13b: {  	[hbm4b:s14+s3] =	stream.linear.scatter [tilespmem:s16], [sflag:$0x2], $0x400, $0x38;
	[tilespmem:$0x16800] =	vst v63  }
0x13c: {  	s10 =	sadd.s32 $0x100, s10;
	s18 =	simm.s32 $0x11800  }
0x13d: {  	[hbm4b:s10+s23] =	stream.strided.scatter [tilespmem:s18], [sflag:$0x2], $0x2800, s28, s23, $0x38;
	[tilespmem:$0x16800] =	vst v63  }
0x13e: {  	_ =	swait.ge [sflag:s31], $0x7800  }
0x13f: {  	[sflag:s31] =	ssyncset.done $0x0  }
0x140: {  	[sflag:s31] =	ssyncadd.s32 $0xFFFF8800  }
0x141: {  	_ =	swait.ge [sflag:s11], $0x2800  }
0x142: {  	[sflag:s11] =	ssyncset.done $0x0  }
0x143: {  	[sflag:s11] =	ssyncadd.s32 $0xFFFFD800  }
0x144: {  	p0 =	seq.s32 s0, $0x27;
	_ =	swait.ge [sflag:s11], $0x2800  }
.Ltmp1:
0x145: {  	[sflag:s11] =	ssyncset.done $0x0;
	(pc) =	sbr.rel @p0 .LBB2_6-.Ltmp1, $4  }
0x146: {  	[sflag:s11] =	ssyncadd.s32 $0xFFFFD800  }
0x147: {  	_ =	swait.ge [sflag:s11], $0x2800  }
0x148: {  	[sflag:s11] =	ssyncset.done $0x0  }
0x149: {  	[sflag:s11] =	ssyncadd.s32 $0xFFFFD800  }
0x14a: {  	s10 =	sshll.u32 s0, $0x8  }
0x14b: {  	s10 =	sand.u32 $0x3FFFFF00, s10  }
0x14c: {  	v4 =	vld [tilespmem:s10+$0x100];
	_ =	sdelay $0x4  }
0x14d: {  	v5 =	vshrl.u32 v4, $0x3  }
0x14e: {  	v5 =	vmul.u32 $0x18, v5  }
0x14f: {  	v4 =	vand.u32 $0x7, v4  }
0x150: {  	v4 =	vor.u32 v4, v5  }
0x151: {  	v5 =	vperm.xlane v4, v0;
	_ =	sdelay $0x1  }
0x152: {  	v5 =	vadd.s32 v1, v5;
	_ =	sdelay $0x1  }
0x153: {  	v4 =	vperm.xlane v4, v2;
	_ =	sdelay $0x1  }
0x154: {  	s12 =	simm.s32 $0x2800;
	v4 =	vadd.s32 v1, v4  }
0x155: {  	[tilespmem:s12], [sflag:$0x1] =	stream.indirect_vreg.gather [hbm4b:s2+s3], $0x80, v5, vm0, $0xb8;
	[tilespmem:$0x16800] =	vst v63  }
0x156: {  	s16 =	simm.s32 $0x3000  }
0x157: {  	[tilespmem:s16], [sflag:$0x1] =	stream.indirect_vreg.gather [hbm4b:s7+s3], $0x80, v5, vm1, $0xb8;
	[tilespmem:$0x16800] =	vst v63  }
0x158: {  	s18 =	simm.s32 $0x3400  }
0x159: {  	[tilespmem:s18], [sflag:$0x1] =	stream.indirect_vreg.gather [hbm4b:s2+s3], $0x80, v4, vm0, $0xb8;
	[tilespmem:$0x16800] =	vst v63  }
0x15a: {  	s14 =	simm.s32 $0x3C00  }
0x15b: {  	[tilespmem:s14], [sflag:$0x1] =	stream.indirect_vreg.gather [hbm4b:s7+s3], $0x80, v4, vm1, $0xb8;
	[tilespmem:$0x16800] =	vst v63  }
0x15c: {  	v4 =	vld [tilespmem:s10+$0x110];
	_ =	sdelay $0x4  }
0x15d: {  	v5 =	vshrl.u32 v4, $0x3  }
0x15e: {  	v5 =	vmul.u32 $0x18, v5  }
0x15f: {  	v4 =	vand.u32 $0x7, v4  }
0x160: {  	v4 =	vor.u32 v4, v5  }
0x161: {  	v5 =	vperm.xlane v4, v0;
	_ =	sdelay $0x1  }
0x162: {  	v5 =	vadd.s32 v1, v5;
	_ =	sdelay $0x1  }
0x163: {  	v4 =	vperm.xlane v4, v2;
	_ =	sdelay $0x1  }
0x164: {  	s16 =	simm.s32 $0x4000;
	v4 =	vadd.s32 v1, v4  }
0x165: {  	[tilespmem:s16], [sflag:$0x1] =	stream.indirect_vreg.gather [hbm4b:s2+s3], $0x80, v5, vm0, $0xb8;
	[tilespmem:$0x16800] =	vst v63  }
0x166: {  	s18 =	simm.s32 $0x4800  }
0x167: {  	[tilespmem:s18], [sflag:$0x1] =	stream.indirect_vreg.gather [hbm4b:s7+s3], $0x80, v5, vm1, $0xb8;
	[tilespmem:$0x16800] =	vst v63  }
0x168: {  	s14 =	simm.s32 $0x4C00  }
0x169: {  	[tilespmem:s14], [sflag:$0x1] =	stream.indirect_vreg.gather [hbm4b:s2+s3], $0x80, v4, vm0, $0xb8;
	[tilespmem:$0x16800] =	vst v63  }
0x16a: {  	s16 =	simm.s32 $0x5400  }
0x16b: {  	[tilespmem:s16], [sflag:$0x1] =	stream.indirect_vreg.gather [hbm4b:s7+s3], $0x80, v4, vm1, $0xb8;
	[tilespmem:$0x16800] =	vst v63  }
0x16c: {  	v4 =	vld [tilespmem:s10+$0x120];
	_ =	sdelay $0x4  }
0x16d: {  	v5 =	vshrl.u32 v4, $0x3  }
0x16e: {  	v5 =	vmul.u32 $0x18, v5  }
0x16f: {  	v4 =	vand.u32 $0x7, v4  }
0x170: {  	v4 =	vor.u32 v4, v5  }
0x171: {  	v5 =	vperm.xlane v4, v0;
	_ =	sdelay $0x1  }
0x172: {  	v5 =	vadd.s32 v1, v5;
	_ =	sdelay $0x1  }
0x173: {  	v4 =	vperm.xlane v4, v2;
	_ =	sdelay $0x1  }
0x174: {  	s18 =	simm.s32 $0x5800;
	v4 =	vadd.s32 v1, v4  }
0x175: {  	[tilespmem:s18], [sflag:$0x1] =	stream.indirect_vreg.gather [hbm4b:s2+s3], $0x80, v5, vm0, $0xb8;
	[tilespmem:$0x16800] =	vst v63  }
0x176: {  	s14 =	simm.s32 $0x6000  }
0x177: {  	[tilespmem:s14], [sflag:$0x1] =	stream.indirect_vreg.gather [hbm4b:s7+s3], $0x80, v5, vm1, $0xb8;
	[tilespmem:$0x16800] =	vst v63  }
0x178: {  	_ = 	snop  }
0x179: {  	[tilespmem:s20], [sflag:$0x1] =	stream.indirect_vreg.gather [hbm4b:s2+s3], $0x80, v4, vm0, $0xb8;
	[tilespmem:$0x16800] =	vst v63  }
0x17a: {  	s16 =	simm.s32 $0x6C00  }
0x17b: {  	[tilespmem:s16], [sflag:$0x1] =	stream.indirect_vreg.gather [hbm4b:s7+s3], $0x80, v4, vm1, $0xb8;
	[tilespmem:$0x16800] =	vst v63  }
0x17c: {  	v4 =	vld [tilespmem:s10+$0x130];
	_ =	sdelay $0x4  }
0x17d: {  	v5 =	vshrl.u32 v4, $0x3  }
0x17e: {  	v5 =	vmul.u32 $0x18, v5  }
0x17f: {  	v4 =	vand.u32 $0x7, v4  }
0x180: {  	v4 =	vor.u32 v4, v5  }
0x181: {  	v5 =	vperm.xlane v4, v0;
	_ =	sdelay $0x1  }
0x182: {  	v5 =	vadd.s32 v1, v5;
	_ =	sdelay $0x1  }
0x183: {  	v4 =	vperm.xlane v4, v2;
	_ =	sdelay $0x1  }
0x184: {  	v4 =	vadd.s32 v1, v4  }
0x185: {  	[tilespmem:s22], [sflag:$0x1] =	stream.indirect_vreg.gather [hbm4b:s2+s3], $0x80, v5, vm0, $0xb8;
	[tilespmem:$0x16800] =	vst v63  }
0x186: {  	s18 =	simm.s32 $0x7800  }
0x187: {  	[tilespmem:s18], [sflag:$0x1] =	stream.indirect_vreg.gather [hbm4b:s7+s3], $0x80, v5, vm1, $0xb8;
	[tilespmem:$0x16800] =	vst v63  }
0x188: {  	_ = 	snop  }
0x189: {  	[tilespmem:s24], [sflag:$0x1] =	stream.indirect_vreg.gather [hbm4b:s2+s3], $0x80, v4, vm0, $0xb8;
	[tilespmem:$0x16800] =	vst v63  }
0x18a: {  	s14 =	simm.s32 $0x8400  }
0x18b: {  	[tilespmem:s14], [sflag:$0x1] =	stream.indirect_vreg.gather [hbm4b:s7+s3], $0x80, v4, vm1, $0xb8;
	[tilespmem:$0x16800] =	vst v63  }
0x18c: {  	v4 =	vld [tilespmem:s10+$0x140];
	_ =	sdelay $0x4  }
0x18d: {  	v5 =	vshrl.u32 v4, $0x3  }
0x18e: {  	v5 =	vmul.u32 $0x18, v5  }
0x18f: {  	v4 =	vand.u32 $0x7, v4  }
0x190: {  	v4 =	vor.u32 v4, v5  }
0x191: {  	v5 =	vperm.xlane v4, v0;
	_ =	sdelay $0x1  }
0x192: {  	v5 =	vadd.s32 v1, v5;
	_ =	sdelay $0x1  }
0x193: {  	v4 =	vperm.xlane v4, v2;
	_ =	sdelay $0x1  }
0x194: {  	v4 =	vadd.s32 v1, v4  }
0x195: {  	[tilespmem:s26], [sflag:$0x1] =	stream.indirect_vreg.gather [hbm4b:s2+s3], $0x80, v5, vm0, $0xb8;
	[tilespmem:$0x16800] =	vst v63  }
0x196: {  	s16 =	simm.s32 $0x9000  }
0x197: {  	[tilespmem:s16], [sflag:$0x1] =	stream.indirect_vreg.gather [hbm4b:s7+s3], $0x80, v5, vm1, $0xb8;
	[tilespmem:$0x16800] =	vst v63  }
0x198: {  	_ = 	snop  }
0x199: {  	[tilespmem:s29], [sflag:$0x1] =	stream.indirect_vreg.gather [hbm4b:s2+s3], $0x80, v4, vm0, $0xb8;
	[tilespmem:$0x16800] =	vst v63  }
0x19a: {  	s18 =	simm.s32 $0x9C00  }
0x19b: {  	[tilespmem:s18], [sflag:$0x1] =	stream.indirect_vreg.gather [hbm4b:s7+s3], $0x80, v4, vm1, $0xb8;
	[tilespmem:$0x16800] =	vst v63  }
.LBB2_6:
0x19c: {  	s10 =	simm.s32 $0x0  }
0x19d: {  	s10 =	smul.u32 $0x3000, s10;
	_ =	sdelay $0x1  }
0x19e: {  	s12 =	simm.s32 $0x0;
	s10 =	sshra.s32 s10, $0x2  }
0x19f: {  	s12 =	sand.u32 $0x200, s12;
	s14 =	sadd.s32 $0xA800, s10  }
0x1a0: {  	s12 =	sor.u32 s12, s14  }
0x1a1: {  	v4 =	vld [tilespmem:s12+$0x0];
	_ =	sdelay $0x3  }
0x1a2: {  	s10 =	simm.s32 $0x1419C  }
0x1a3: {  	[tilespmem:s10+$0xFFFFFE64] =	vst v4  }
0x1a4: {  	v4 =	vld [tilespmem:s12+$0x10];
	_ =	sdelay $0x4  }
0x1a5: {  	s12 =	sor.u32 $0x20, s12;
	[tilespmem:s10+$0xFFFFFE74] =	vst v4  }
0x1a6: {  	v5 =	vld.msk [tilespmem:s12+$0x0], $0xfff;
	_ =	sdelay $0x4  }
0x1a7: {  	v4 =	vperm.xlane v4, v3;
	v5 =	vperm.xlane v5, v3  }
0x1a8: {  	s16 =	simm.s32 $0x80  }
0x1a9: {  	s12 =	sand.u32 $0x280, s16;
	v4 =	vsel vm2, v4, v5  }
0x1aa: {  	s12 =	sor.u32 s12, s14;
	[tilespmem:s10+$0xFFFFFE80] =	vst v4  }
0x1ab: {  	v4 =	vld [tilespmem:s12+$0x0];
	_ =	sdelay $0x4  }
0x1ac: {  	[tilespmem:s10+$0xFFFFFEE4] =	vst v4  }
0x1ad: {  	v4 =	vld [tilespmem:s12+$0x10];
	_ =	sdelay $0x4  }
0x1ae: {  	s12 =	sor.u32 $0x20, s12;
	[tilespmem:s10+$0xFFFFFEF4] =	vst v4  }
0x1af: {  	v5 =	vld.msk [tilespmem:s12+$0x0], $0xfff;
	_ =	sdelay $0x4  }
0x1b0: {  	v4 =	vperm.xlane v4, v3;
	v5 =	vperm.xlane v5, v3  }
0x1b1: {  	s18 =	simm.s32 $0x100  }
0x1b2: {  	s12 =	sand.u32 $0x300, s18;
	v4 =	vsel vm2, v4, v5  }
0x1b3: {  	s12 =	sor.u32 s12, s14;
	[tilespmem:s10+$0xFFFFFF00] =	vst v4  }
0x1b4: {  	v4 =	vld [tilespmem:s12+$0x0];
	_ =	sdelay $0x4  }
0x1b5: {  	[tilespmem:s10+$0xFFFFFF64] =	vst v4  }
0x1b6: {  	v4 =	vld [tilespmem:s12+$0x10];
	_ =	sdelay $0x4  }
0x1b7: {  	s12 =	sor.u32 $0x20, s12;
	[tilespmem:s10+$0xFFFFFF74] =	vst v4  }
0x1b8: {  	v5 =	vld.msk [tilespmem:s12+$0x0], $0xfff;
	_ =	sdelay $0x4  }
0x1b9: {  	v4 =	vperm.xlane v4, v3;
	v5 =	vperm.xlane v5, v3  }
0x1ba: {  	s12 =	simm.s32 $0x180  }
0x1bb: {  	s16 =	sand.u32 $0x380, s12;
	v4 =	vsel vm2, v4, v5  }
0x1bc: {  	s14 =	sor.u32 s16, s14;
	[tilespmem:s10+$0xFFFFFF80] =	vst v4  }
0x1bd: {  	v4 =	vld [tilespmem:s14+$0x0];
	_ =	sdelay $0x4  }
0x1be: {  	[tilespmem:s10+$0xFFFFFFE4] =	vst v4  }
0x1bf: {  	v4 =	vld [tilespmem:s14+$0x10];
	_ =	sdelay $0x4  }
0x1c0: {  	s16 =	sor.u32 $0x20, s14;
	[tilespmem:s10+$0xFFFFFFF4] =	vst v4  }
0x1c1: {  	s14 =	simm.s32 $0x0;
	v4 =	vperm.xlane v4, v3;
	v5 =	vld.msk [tilespmem:s16+$0x0], $0xfff  }
.LBB2_7:
0x1c2: {  	_ = 	snop  }
0x1c3: {  	s14 =	sadd.s32 $0x4, s14  }
0x1c4: {  	s16 =	sshrl.u32 s14, $0x3;
	p0 =	slt.u32 s14, $0x4C  }
0x1c5: {  	s16 =	smul.u32 $0x3000, s16  }
0x1c6: {  	s12 =	sadd.s32 $0x200, s12;
	v5 =	vperm.xlane v5, v3  }
0x1c7: {  	s18 =	sadd.s32 $0xFFFFFE80, s12;
	s16 =	sshra.s32 s16, $0x2  }
0x1c8: {  	s18 =	sand.u32 $0x200, s18;
	s16 =	sadd.s32 $0xA800, s16;
	v4 =	vsel vm2, v4, v5  }
0x1c9: {  	s18 =	sor.u32 s18, s16;
	[tilespmem:s10+$0x0] =	vst v4  }
0x1ca: {  	v4 =	vld [tilespmem:s18+$0x0];
	_ =	sdelay $0x3  }
0x1cb: {  	s10 =	sadd.s32 $0x200, s10  }
0x1cc: {  	[tilespmem:s10+$0xFFFFFE64] =	vst v4  }
0x1cd: {  	v4 =	vld [tilespmem:s18+$0x10];
	_ =	sdelay $0x4  }
0x1ce: {  	s18 =	sor.u32 $0x20, s18;
	[tilespmem:s10+$0xFFFFFE74] =	vst v4;
	v4 =	vperm.xlane v4, v3  }
0x1cf: {  	v5 =	vld.msk [tilespmem:s18+$0x0], $0xfff;
	_ =	sdelay $0x4  }
0x1d0: {  	v5 =	vperm.xlane v5, v3  }
0x1d1: {  	s18 =	sadd.s32 $0xFFFFFF00, s12  }
0x1d2: {  	s18 =	sand.u32 $0x280, s18;
	v4 =	vsel vm2, v4, v5  }
0x1d3: {  	s18 =	sor.u32 s18, s16;
	[tilespmem:s10+$0xFFFFFE80] =	vst v4  }
0x1d4: {  	v4 =	vld [tilespmem:s18+$0x0];
	_ =	sdelay $0x4  }
0x1d5: {  	[tilespmem:s10+$0xFFFFFEE4] =	vst v4  }
0x1d6: {  	v4 =	vld [tilespmem:s18+$0x10];
	_ =	sdelay $0x4  }
0x1d7: {  	s18 =	sor.u32 $0x20, s18;
	[tilespmem:s10+$0xFFFFFEF4] =	vst v4;
	v4 =	vperm.xlane v4, v3  }
0x1d8: {  	v5 =	vld.msk [tilespmem:s18+$0x0], $0xfff;
	_ =	sdelay $0x4  }
0x1d9: {  	v5 =	vperm.xlane v5, v3  }
0x1da: {  	s18 =	sadd.s32 $0xFFFFFF80, s12  }
0x1db: {  	s18 =	sand.u32 $0x300, s18;
	v4 =	vsel vm2, v4, v5  }
0x1dc: {  	s18 =	sor.u32 s18, s16;
	[tilespmem:s10+$0xFFFFFF00] =	vst v4  }
0x1dd: {  	v4 =	vld [tilespmem:s18+$0x0];
	_ =	sdelay $0x4  }
0x1de: {  	[tilespmem:s10+$0xFFFFFF64] =	vst v4  }
0x1df: {  	v4 =	vld [tilespmem:s18+$0x10];
	_ =	sdelay $0x4  }
0x1e0: {  	s18 =	sor.u32 $0x20, s18;
	[tilespmem:s10+$0xFFFFFF74] =	vst v4;
	v4 =	vperm.xlane v4, v3  }
0x1e1: {  	v5 =	vld.msk [tilespmem:s18+$0x0], $0xfff;
	_ =	sdelay $0x4  }
0x1e2: {  	v5 =	vperm.xlane v5, v3;
	_ =	sdelay $0x1  }
0x1e3: {  	s18 =	sand.u32 $0x380, s12;
	v4 =	vsel vm2, v4, v5  }
0x1e4: {  	s16 =	sor.u32 s18, s16;
	[tilespmem:s10+$0xFFFFFF80] =	vst v4  }
0x1e5: {  	v4 =	vld [tilespmem:s16+$0x0];
	_ =	sdelay $0x4  }
0x1e6: {  	[tilespmem:s10+$0xFFFFFFE4] =	vst v4  }
0x1e7: {  	v4 =	vld [tilespmem:s16+$0x10];
	_ =	sdelay $0x1  }
.Ltmp2:
0x1e8: {  	(pc) =	sbr.rel @p0 .LBB2_7-.Ltmp2, $3  }
0x1e9: {  	_ =	sdelay $0x1  }
0x1ea: {  	s16 =	sor.u32 $0x20, s16;
	[tilespmem:s10+$0xFFFFFFF4] =	vst v4;
	v4 =	vperm.xlane v4, v3  }
0x1eb: {  	v5 =	vld.msk [tilespmem:s16+$0x0], $0xfff  }
0x1ec: {  	_ = 	snop  }
0x1ed: {  	s12 =	smul.u32 $0x50, s19;
	_ =	sdelay $0x1  }
0x1ee: {  	s12 =	sadd.s32 s5, s12  }
0x1ef: {  	s12 =	sshrl.u32 s12, $0x3;
	v5 =	vperm.xlane v5, v3  }
0x1f0: {  	s12 =	smul.u32 $0x180, s12  }
0x1f1: {  	v4 =	vsel vm2, v4, v5  }
0x1f2: {  	[tilespmem:s10+$0x0] =	vst v4;
	s10 =	sadd.s32 s4, s12  }
0x1f3: {  	[hbm4b:s10+s3] =	stream.linear.scatter [tilespmem:s1], [sflag:$0x3], $0x400, $0x38;
	[tilespmem:$0x16800] =	vst v63  }
0x1f4: {  	s12 =	sadd.s32 $0x180, s10  }
0x1f5: {  	[hbm4b:s12+s3] =	stream.linear.scatter [tilespmem:s6], [sflag:$0x3], $0x400, $0x38;
	[tilespmem:$0x16800] =	vst v63  }
0x1f6: {  	s19 =	sadd.s32 $0x300, s10  }
0x1f7: {  	[hbm4b:s19+s3] =	stream.linear.scatter [tilespmem:s9], [sflag:$0x3], $0x400, $0x38;
	[tilespmem:$0x16800] =	vst v63  }
0x1f8: {  	s14 =	sadd.s32 $0x480, s10  }
0x1f9: {  	[hbm4b:s14+s3] =	stream.linear.scatter [tilespmem:s13], [sflag:$0x3], $0x400, $0x38;
	[tilespmem:$0x16800] =	vst v63  }
0x1fa: {  	s16 =	sadd.s32 $0x600, s10  }
0x1fb: {  	[hbm4b:s16+s3] =	stream.linear.scatter [tilespmem:s17], [sflag:$0x3], $0x400, $0x38;
	[tilespmem:$0x16800] =	vst v63  }
0x1fc: {  	s18 =	sadd.s32 $0x780, s10  }
0x1fd: {  	[hbm4b:s18+s3] =	stream.linear.scatter [tilespmem:s21], [sflag:$0x3], $0x400, $0x38;
	[tilespmem:$0x16800] =	vst v63  }
0x1fe: {  	s19 =	sadd.s32 $0x900, s10  }
0x1ff: {  	[hbm4b:s19+s3] =	stream.linear.scatter [tilespmem:s25], [sflag:$0x3], $0x400, $0x38;
	[tilespmem:$0x16800] =	vst v63  }
0x200: {  	s14 =	sadd.s32 $0xA80, s10  }
0x201: {  	[hbm4b:s14+s3] =	stream.linear.scatter [tilespmem:s30], [sflag:$0x3], $0x400, $0x38;
	[tilespmem:$0x16800] =	vst v63  }
0x202: {  	s16 =	sadd.s32 $0xC00, s10  }
0x203: {  	[hbm4b:s16+s3] =	stream.linear.scatter [tilespmem:s8], [sflag:$0x3], $0x400, $0x38;
	[tilespmem:$0x16800] =	vst v63  }
0x204: {  	s18 =	sadd.s32 $0xD80, s10  }
0x205: {  	[hbm4b:s18+s3] =	stream.linear.scatter [tilespmem:s15], [sflag:$0x3], $0x400, $0x38;
	[tilespmem:$0x16800] =	vst v63  }
0x206: {  	s19 =	sadd.s32 $0x80, s10;
	s14 =	simm.s32 $0xA400  }
0x207: {  	[hbm4b:s19+s3] =	stream.linear.scatter [tilespmem:s14], [sflag:$0x3], $0x400, $0x38;
	[tilespmem:$0x16800] =	vst v63  }
0x208: {  	s16 =	simm.s32 $0xB000;
	s14 =	sadd.s32 $0x200, s10  }
0x209: {  	[hbm4b:s14+s3] =	stream.linear.scatter [tilespmem:s16], [sflag:$0x3], $0x400, $0x38;
	[tilespmem:$0x16800] =	vst v63  }
0x20a: {  	s18 =	sadd.s32 $0x380, s10;
	s19 =	simm.s32 $0xBC00  }
0x20b: {  	[hbm4b:s18+s3] =	stream.linear.scatter [tilespmem:s19], [sflag:$0x3], $0x400, $0x38;
	[tilespmem:$0x16800] =	vst v63  }
0x20c: {  	s14 =	sadd.s32 $0x500, s10;
	s16 =	simm.s32 $0xC800  }
0x20d: {  	[hbm4b:s14+s3] =	stream.linear.scatter [tilespmem:s16], [sflag:$0x3], $0x400, $0x38;
	[tilespmem:$0x16800] =	vst v63  }
0x20e: {  	s18 =	sadd.s32 $0x680, s10;
	s19 =	simm.s32 $0xD400  }
0x20f: {  	[hbm4b:s18+s3] =	stream.linear.scatter [tilespmem:s19], [sflag:$0x3], $0x400, $0x38;
	[tilespmem:$0x16800] =	vst v63  }
0x210: {  	s14 =	sadd.s32 $0x800, s10;
	s16 =	simm.s32 $0xE000  }
0x211: {  	[hbm4b:s14+s3] =	stream.linear.scatter [tilespmem:s16], [sflag:$0x3], $0x400, $0x38;
	[tilespmem:$0x16800] =	vst v63  }
0x212: {  	s18 =	sadd.s32 $0x980, s10;
	s19 =	simm.s32 $0xEC00  }
0x213: {  	[hbm4b:s18+s3] =	stream.linear.scatter [tilespmem:s19], [sflag:$0x3], $0x400, $0x38;
	[tilespmem:$0x16800] =	vst v63  }
0x214: {  	s0 =	sadd.s32 $0x1, s0;
	s14 =	sadd.s32 $0xB00, s10;
	s16 =	simm.s32 $0xF800  }
0x215: {  	[hbm4b:s14+s3] =	stream.linear.scatter [tilespmem:s16], [sflag:$0x3], $0x400, $0x38;
	[tilespmem:$0x16800] =	vst v63  }
0x216: {  	p0 =	sne.s32 s0, $0x28;
	s18 =	sadd.s32 $0xC80, s10;
	s19 =	simm.s32 $0x10400  }
0x217: {  	[hbm4b:s18+s3] =	stream.linear.scatter [tilespmem:s19], [sflag:$0x3], $0x400, $0x38;
	[tilespmem:$0x16800] =	vst v63  }
.Ltmp3:
0x218: {  	_ = 	snop;
	(pc) =	sbr.rel @p0 .LBB2_2-.Ltmp3, $4  }
0x219: {  	s16 =	sadd.s32 $0xE00, s10;
	s18 =	simm.s32 $0x11000  }
0x21a: {  	[hbm4b:s16+s3] =	stream.linear.scatter [tilespmem:s18], [sflag:$0x3], $0x400, $0x38;
	[tilespmem:$0x16800] =	vst v63  }
0x21b: {  	s10 =	sadd.s32 $0x100, s10;
	s19 =	simm.s32 $0x14000  }
0x21c: {  	[hbm4b:s10+s23] =	stream.strided.scatter [tilespmem:s19], [sflag:$0x3], $0x2800, s28, s23, $0x38;
	[tilespmem:$0x16800] =	vst v63  }
0x21d: {  	s10 =	simm.s32 $0x3  }
0x21e: {  	_ =	swait.ge [sflag:s10], $0x2800  }
0x21f: {  	[sflag:s10] =	ssyncset.done $0x0  }
0x220: {  	[sflag:s10] =	ssyncadd.s32 $0xFFFFD800  }
0x221: {  	_ =	swait.ge [sflag:s10], $0x2800  }
0x222: {  	[sflag:s10] =	ssyncset.done $0x0  }
0x223: {  	[sflag:s10] =	ssyncadd.s32 $0xFFFFD800  }
0x224: {  	_ =	swait.ge [sflag:s10], $0x2800  }
0x225: {  	s12 =	rddreg [dreg:$0x5]  }
0x226: {  	s0 =	rddreg [dreg:$0x4];
	s12 =	sadd.s32 $0x1, s12  }
0x227: {  	p0 =	sne.s32 s12, s0  }
.Ltmp4:
0x228: {  	_ = 	snop;
	(pc) =	sbr.rel @p0 .LBB2_1-.Ltmp4, $3  }
0x229: {  	_ =	sdelay $0x1  }
0x22a: {  	[sflag:s10] =	ssyncset.done $0x0  }
0x22b: {  	[sflag:s10] =	ssyncadd.s32 $0xFFFFD800  }
0x22c: {  	_ =	sfence.sel $0x180000  }
0x22d: {  	[bflag:$0x0] =	sbarrier.arrive $0xFFFF  }
0x22e: {  	_ =	strace $0x90000047  }
0x22f: {  	s0 =	stileid.u32;
	[bflag:$0x2] =	sbarrier.arrive $0xFFFF  }
0x230: {  	p0 =	sne.s32 s0, $0x0;
	s0 =	rddreg [dreg:$0x2]  }
0x231: {  	s0 =	sadd.s32 @!p0 $0x100000, s0  }
0x232: {  	[sflag:s0] =	ssyncadd.tile.s32 @!p0 $0x1;
	_ =	shalt  }
.Lfunc_end2:
_tile_overlayer_lowered:
.L_overlay_start_2:
0x233: {  	(tag) =	ssettag $0x2  }
0x234: {  	s0 =	rddreg [dreg:$0x0];
	s2 =	stileid.u32  }
0x235: {  	s1 =	rddreg [dreg:$0x1];
	p0 =	sne.s32 s2, $0x0  }
0x236: {  	s3 =	rddreg [dreg:$0x2];
	[bflag:$0x3] =	sbarrier.arrive $0xFFFF;
	s2 =	simm.s32 @!p0 $0x1C04  }
0x237: {  	[timem:s3], [sflag:s2] =	dma.local @!p0 [hbm:s0], s1  }
0x238: {  	s0 =	simm.s32 @!p0 $0x4  }
0x239: {  	_ =	swait.ge @!p0 [sflag:s0], s1  }
0x23a: {  	s1 =	ssub.s32 @!p0 $0x0, s1;
	[sflag:s0] =	ssyncset.done @!p0 $0x0  }
0x23b: {  	[sflag:s0] =	ssyncadd.s32 @!p0 s1  }
0x23c: {  	[bflag:$0x3] =	sbarrier.arrive $0xFFFF  }
0x23d: {  	_ =	shalt  }

// kernel: sparse-core-data-format-call.cloned.1.call-start
scs
called_computation_lowered:
.L_overlay_start_0:
0x0: {  	s2 =	sld [smem:$0x3FD9]  }
0x1: {  	s3 =	sld [smem:$0x3FFE];
	_ =	sdelay $0x1  }
0x2: {  	s1 =	srdreg.scid  }
0x3: {  	s0 =	sand.u32 $0x1, s1  }
0x4: {  	s18 =	sshll.u32 s0, $0xA;
	s2 =	sadd.s32 s3, s2  }
0x5: {  	s2 =	sadd.s32 s2, s18  }
0x6: {  	[smem:$0x3FC6] =	sst s2  }
0x7: {  	_ = 	snop  }
0x8: {  	s2 =	sld [smem:$0x3FD0];
	(tm) =	ssettm $0x1  }
0x9: {  	s19 =	sld [smem:$0x3FFB];
	_ =	sdelay $0x3  }
0xa: {  	_ =	strace s19  }
0xb: {  	s3 =	sld [smem:$0x3FFC];
	_ =	sdelay $0x3  }
0xc: {  	_ =	strace s3  }
0xd: {  	s3 =	sld [smem:$0x3FFD];
	_ =	sdelay $0x3  }
0xe: {  	_ =	strace s3  }
0xf: {  	_ =	strace $0x8FFFFFFF  }
0x10: {  	s20 =	sld [smem:$0x3FDB];
	_ =	sdelay $0x1  }
0x11: {  	s4 =	simm.s32 $_scs_section_size  }
0x12: {  	s5 =	simm.s32 $_size__tile_overlayer_lowered;
	s6 =	simm.s32 $_tile_overlayer_lowered  }
0x13: {  	s23 =	simm.s32 $0x1BFF;
	s22 =	sshll.u32 s6, $0x1;
	s3 =	sadd.s32 s4, s20  }
0x14: {  	s7 =	simm.s32 $0x0;
	s21 =	sshll.u32 s5, $0x1;
	s5 =	sadd.s32 s22, s3  }
0x15: {  	[timem:s7], [sflag:s23] =	dma.local [hbm:s5], s21  }
0x16: {  	_ =	swait.ge [sflag:s23], s21  }
0x17: {  	s4 =	ssub.s32 $0x0, s21;
	[sflag:s23] =	ssyncset.done $0x0  }
0x18: {  	[sflag:s23] =	ssyncadd.s32 s4;
	_ =	sdelay $0x1  }
0x19: {  	s24 =	simm.s32 $0x1B8B  }
0x1a: {  	_ =	swait.ge [sflag:s24], $0x1  }
0x1b: {  	[sflag:s24] =	ssyncset.done $0x0  }
0x1c: {  	s26 =	simm.s32 $0x1B8E;
	s25 =	sld [smem:$0x3FFE];
	[sflag:s24] =	ssyncadd.s32 $0xFFFFFFFF  }
0x1d: {  	s27 =	simm.s32 $execute0_lowered;
	[smem:$0x3FD2] =	sst s26  }
0x1e: {  	s5 =	sshll.u32 s27, $0x1;
	_ =	strace $0x80000049;
	[dreg:$0x1] =	wrdreg $0xFFFFFFFF  }
0x1f: {  	s28 =	simm.s32 $_size_execute0_lowered;
	s3 =	sadd.s32 s3, s5;
	[dreg:$0x0] =	wrdreg $0x0  }
0x20: {  	s5 =	sshll.u32 s28, $0x1;
	[dreg:$0x2] =	wrdreg s3  }
0x21: {  	[dreg:$0x3] =	wrdreg s5  }
0x22: {  	[dreg:$0x4] =	wrdreg $0xC0  }
0x23: {  	_ =	task [dreg:s7], $0x5FFFF  }
0x24: {  	[dreg:$0x1] =	wrdreg $0xFFFFFFFF  }
0x25: {  	[dreg:$0x0] =	wrdreg $0x60  }
0x26: {  	[dreg:$0x2] =	wrdreg s25  }
0x27: {  	[dreg:$0x3] =	wrdreg s2  }
0x28: {  	[dreg:$0x4] =	wrdreg $0x9  }
0x29: {  	_ =	task.clear_ibuf [dreg:s7], $0x5FFFF;
	_ =	strace $0x90000049  }
0x2a: {  	s29 =	simm.s32 $0x9;
	_ =	strace $0x8000004B  }
0x2b: {  	_ =	swait.ge [sflag:s29], $0x1  }
0x2c: {  	[sflag:s29] =	ssyncadd.s32 $0xFFFFFFFF  }
0x2d: {  	_ =	strace $0x9000004B  }
0x2e: {  	_ =	sfence  }
0x2f: {  	s30 =	sld [smem:$0x0];
	_ =	sdelay $0x2  }
0x30: {  	s31 =	sshll.u32 s1, $0xD;
	s1 =	sshrl.u32 s1, $0x2  }
0x31: {  	s3 =	sand.u32 $0x4000, s31;
	s1 =	sadd.s32 s1, s30  }
0x32: {  	s0 =	sor.u32 s3, s0;
	s1 =	sshll.u32 s1, $0x11  }
0x33: {  	s0 =	sor.u32 s1, s0  }
0x34: {  	s0 =	sadd.s32 $0x8F2B, s0  }
0x35: {  	[sflag:s0] =	ssyncadd.remote.s32 $0x1  }
0x36: {  	_ =	sfence.sel $0xFFFF  }
0x37: {  	[dreg:$0x0] =	wrdreg $0xFFFFFFFF;
	(pc) =	sbr.abs _section_cstart, $3  }
0x38: {  	[dreg:$0x1] =	wrdreg $0xFFFFFFFF  }
0x39: {  	_ =	task.clear_ibuf [dreg:s7], $0x2FFFF;
	_ =	strace $0x9FFFFFFF  }
0x3a: {  	(tm) =	ssettm $0x7FFFFFFF  }
0x3b: {  	_ =	shalt  }
tec
execute0_lowered:
.L_overlay_start_1:
0x0: {  	(tag) =	ssettag $0x1  }
0x1: {  	s4 =	rddreg [dreg:$0x0]  }
0x2: {  	s0 =	stileid.u32;
	s2 =	rddreg [dreg:$0x1]  }
0x3: {  	s7 =	srdreg.scid;
	s8 =	simm.s32 $0x2;
	s17 =	simm.s32 $0x0  }
0x4: {  	s9 =	simm.s32 $0x32000;
	s19 =	simm.s32 $0x0;
	s18 =	simm.s32 $0x0  }
0x5: {  	s10 =	simm.s32 $0x0;
	s11 =	simm.s32 $0x0;
	s1 =	sshll.u32 s0, $0x7  }
0x6: {  	s12 =	simm.s32 $0x0;
	s13 =	simm.s32 $0x0;
	s3 =	sand.u32 $0x380, s1  }
0x7: {  	s16 =	simm.s32 $0x0;
	s7 =	sshll.u32 s7, $0x4;
	s5 =	ssub.s32 $0x400, s3  }
0x8: {  	s4 =	sadd.s32 $0xA800, s4;
	s1 =	rddreg [dreg:$0x2];
	s6 =	sand.u32 $0x380, s5  }
0x9: {  	s7 =	sand.u32 $0x10, s7;
	p0 =	sne.s32 s6, $0x0;
	s6 =	simm.s32 $0x1  }
.Ltmp0:
0xa: {  	s5 =	sshrl.u32 s5, $0xA;
	s6 =	simm.s32 @!p0 $0x0;
	(pc) =	sbr.rel .LBB1_1-.Ltmp0, $4  }
0xb: {  	_ =	strace $0x8000004A;
	s7 =	sor.u32 s0, s7;
	s6 =	sadd.s32 s6, s5  }
0xc: {  	s7 =	sshrl.u32 s7, $0x3;
	s5 =	simm.s32 $0x1;
	s6 =	smul.u32 $0x96, s6  }
0xd: {  	s15 =	smov.u32 s3;
	s14 =	smov.u32 s7;
	[sflag:s5] =	ssyncpa.u1 $0x0  }
0xe: {  	p0 =	por $0x0, $0x0;
	[sflag:s8] =	ssyncpa.u1 $0x0;
	s8 =	sor.u32 $0x1, s6  }
.LBB1_4:
0xf: {  	s25 =	sshll.u32 s11, $0xA;
	s26 =	sshll.u32 s12, $0x3;
	s24 =	sshra.s32 s24, $0x2  }
0x10: {  	p1 =	sgt.s32 s10, $0xAC;
	s27 =	sshra.s32 s11, $0x1F;
	s28 =	sshra.s32 s10, $0x1F  }
0x11: {  	s29 =	sshra.s32 s12, $0x1F;
	s25 =	sand.u32 $0xFFFFE000, s25;
	s26 =	sand.u32 $0xFFFFFC00, s26  }
0x12: {  	s23 =	sadd.s32 s24, s23;
	s27 =	sand.u32 s27, s11;
	s25 =	sadd.s32 s26, s25  }
0x13: {  	s28 =	sand.u32 s28, s10;
	s24 =	sshrl.u32 s25, $0xA;
	s25 =	smov.u32 s10  }
0x14: {  	s26 =	smov.u32 s11;
	s25 =	simm.s32 @!p1 $0xAC;
	p1 =	sgt.s32 s11, $0xC7  }
0x15: {  	[tilespmem:s22+$0x2040 ss:$0x81] =	vst.msk $0xffff, v4;
	s29 =	sand.u32 s29, s12;
	s30 =	smulhi.u32 $0x147AE15, s24;
	s26 =	simm.s32 @!p1 $0xC7  }
0x16: {  	v5 =	vld [tilespmem:s21+$0xFFFFFFD0];
	[tilespmem:s22+$0x2850 ss:$0x81] =	vst.msk $0xffff, v3;
	p1 =	sgt.s32 s12, $0x380;
	s25 =	ssub.s32 s25, s28;
	s26 =	ssub.s32 s26, s27  }
0x17: {  	v58 =	vld [tilespmem:s21+$0xFFFFFFE0];
	[tilespmem:s22+$0x3060 ss:$0x81] =	vst.msk $0xffff, v2;
	s27 =	smov.u32 s12;
	s28 =	sadd.s32 $0xFFFFFF54, s25;
	s25 =	ssub.s32 $0x12C, s25  }
0x18: {  	v59 =	vld [tilespmem:s21+$0xFFFFFFF0];
	[tilespmem:s22+$0x0 ss:$0x81] =	vst.msk $0xffff, v1;
	s27 =	simm.s32 @!p1 $0x380;
	s31 =	sadd.s32 $0xFFFFFF39, s26;
	s22 =	ssub.s32 $0xC8, s26  }
0x19: {  	v60 =	vld [tilespmem:s21+$0x0];
	s27 =	ssub.s32 s27, s29;
	p1 =	sgt.s32 s31, $0x0;
	s29 =	smul.u32 $0xC8, s30  }
0x1a: {  	v61 =	vld [tilespmem:s21+$0x10];
	[tilespmem:s23+$0x3870 ss:$0x81] =	vst.msk $0xffff, v0;
	s30 =	sshll.u32 s11, $0x7;
	s31 =	sadd.s32 $0xFFFFFC80, s27;
	s26 =	ssub.s32 $0x400, s27  }
0x1b: {  	v62 =	vld [tilespmem:s21+$0x20];
	[tilespmem:s23+$0x810 ss:$0x81] =	vst.msk $0xffff, v5;
	s22 =	simm.s32 @p1 $0x0;
	p1 =	sgt.s32 s28, $0x7F;
	p2 =	sgt.s32 s31, $0x7F  }
0x1c: {  	v63 =	vld [tilespmem:s21+$0xFFFFFFC0];
	[tilespmem:s23+$0x1020 ss:$0x81] =	vst.msk $0xffff, v58;
	s27 =	sand.u32 $0x78, s12;
	s31 =	smul.u32 $0x6400, s10;
	s26 =	simm.s32 @p2 $0x0  }
0x1d: {  	[tilespmem:s23+$0x1830 ss:$0x81] =	vst.msk $0xffff, v59;
	s21 =	sand.u32 $0x380, s30;
	s25 =	simm.s32 @p1 $0x0;
	s22 =	smul.u32 s26, s22  }
0x1e: {  	[tilespmem:s23+$0x2040 ss:$0x81] =	vst.msk $0xffff, v60;
	s21 =	sor.u32 s27, s21;
	s24 =	ssub.s32 s24, s29;
	s29 =	sand.u32 $0x7, s12  }
0x1f: {  	[tilespmem:s23+$0x2850 ss:$0x81] =	vst.msk $0xffff, v61;
	s21 =	sshrl.u32 s21, $0x3;
	s28 =	sadd.s32 s2, s31;
	s22 =	smul.u32 s25, s22  }
0x20: {  	[tilespmem:s23+$0x3060 ss:$0x81] =	vst.msk $0xffff, v62;
	s24 =	sshll.u32 s24, $0x7;
	s30 =	sshll.u32 s29, $0x12;
	s21 =	sadd.s32 s21, s28  }
0x21: {  	[tilespmem:s23+$0x0 ss:$0x81] =	vst.msk $0xffff, v63;
	s31 =	sor.u32 $0x80, s30;
	s21 =	sadd.s32 s24, s21;
	s22 =	sand.u32 $0x3FFFFFFF, s22  }
0x22: {  	[hbm4b:s21+s31] =	stream.strided.scatter [tilespmem:s20], [sflag:$0x2], s22, s9, s31, $0x20;
	[tilespmem:$0x10100] =	vst v63  }
.LBB1_5:
0x23: {  	p1 =	slt.u32 s16, $0x2;
	s21 =	smov.u32 s19  }
0x24: {  	p2 =	sgt.s32 @!p1 s17, $0xAC;
	s20 =	sshra.s32 @!p1 s17, $0x1F;
	p3 =	sgt.s32 @!p1 s19, $0xC7  }
0x25: {  	s22 =	sshra.s32 @!p1 s19, $0x1F;
	p2 =	por !p2, p1;
	s20 =	sand.u32 @!p1 s20, s17  }
0x26: {  	p3 =	por !p3, p1;
	s19 =	sand.u32 @!p1 s22, s19;
	s22 =	sshra.s32 @!p1 s18, $0x1F  }
0x27: {  	s21 =	simm.s32 @p3 $0xC7;
	p3 =	sgt.s32 @!p1 s18, $0x380;
	s17 =	simm.s32 @p2 $0xAC  }
0x28: {  	s19 =	ssub.s32 @!p1 s21, s19;
	p3 =	por !p3, p1;
	s21 =	smov.u32 s18  }
0x29: {  	s18 =	sand.u32 @!p1 s22, s18;
	s17 =	ssub.s32 @!p1 s17, s20;
	s21 =	simm.s32 @p3 $0x380  }
0x2a: {  	s20 =	sadd.s32 @!p1 $0xFFFFFF39, s19;
	s19 =	ssub.s32 @!p1 $0xC8, s19;
	s18 =	ssub.s32 @!p1 s21, s18  }
0x2b: {  	s21 =	sadd.s32 @!p1 $0xFFFFFF54, s17;
	p2 =	sgt.s32 @!p1 s20, $0x0;
	s20 =	sadd.s32 @!p1 $0xFFFFFC80, s18  }
0x2c: {  	s17 =	ssub.s32 @!p1 $0x12C, s17;
	p2 =	por !p2, p1;
	p3 =	sgt.s32 @!p1 s20, $0x7F  }
0x2d: {  	s18 =	ssub.s32 @!p1 $0x400, s18;
	s19 =	simm.s32 @!p2 $0x0;
	p2 =	por !p3, p1  }
0x2e: {  	s20 =	sadd.s32 $0x80, s13;
	p3 =	sgt.s32 @!p1 s21, $0x7F;
	s18 =	simm.s32 @!p2 $0x0  }
0x2f: {  	s21 =	smov.u32 s14;
	p2 =	por !p3, p1;
	s18 =	smul.u32 @!p1 s18, s19  }
0x30: {  	s17 =	simm.s32 @!p2 $0x0;
	p2 =	sgt.s32 s20, $0x12B;
	s19 =	sadd.s32 $0x4, s14  }
0x31: {  	s22 =	smov.u32 s15;
	s21 =	smov.u32 @p2 s19  }
0x32: {  	s17 =	smul.u32 @!p1 s17, s18;
	p3 =	sgt.s32 s21, $0xC7;
	s18 =	sadd.s32 $0x400, s15  }
0x33: {  	p0 =	por !p0, !p0;
	s23 =	simm.s32 @!p1 $0x2;
	s22 =	smov.u32 @p3 s18  }
0x34: {  	s20 =	simm.s32 @p2 $0x0;
	s19 =	smov.u32 s11;
	p2 =	sgt.s32 s22, $0x3FF  }
0x35: {  	s11 =	smov.u32 s14;
	s22 =	smov.u32 @p2 s3;
	p2 =	sne.s32 s16, s8  }
.Ltmp1:
0x36: {  	s21 =	smov.u32 @p3 s7;
	s18 =	smov.u32 s12;
	(pc) =	sbr.rel @!p2 .LBB1_6-.Ltmp1, $4  }
0x37: {  	s12 =	smov.u32 s15;
	s17 =	sand.u32 @!p1 $0x3FFFFFFF, s17;
	s14 =	smov.u32 s21  }
0x38: {  	_ =	swait.ge @!p1 [sflag:s23], s17;
	s24 =	ssub.s32 @!p1 $0x0, s17;
	s17 =	smov.u32 s10  }
0x39: {  	s16 =	sadd.s32 $0x1, s16;
	s10 =	smov.u32 s13;
	[sflag:s23] =	ssyncset.done @!p1 $0x0  }
0x3a: {  	s13 =	smov.u32 s20;
	s15 =	smov.u32 s22;
	[sflag:s23] =	ssyncadd.s32 @!p1 s24  }
.LBB1_1:
0x3b: {  	p1 =	sge.u32 s16, s6  }
0x3c: {  	s20 =	sshrl.u32 @!p1 s14, $0x3  }
0x3d: {  	s21 =	sshll.u32 @!p1 s13, $0x3;
	s20 =	smul.u32 @!p1 $0xC00, s20  }
0x3e: {  	s22 =	sshll.u32 @!p1 s14, $0x7;
	s21 =	sand.u32 @!p1 $0xFFFFFC00, s21  }
0x3f: {  	s20 =	sadd.s32 @!p1 s20, s21;
	s21 =	sand.u32 @!p1 $0x380, s22  }
0x40: {  	s20 =	sor.u32 @!p1 s21, s20  }
0x41: {  	s21 =	sand.u32 @!p1 $0x7F, s13;
	s22 =	smulhi.u32 @!p1 $0xAAAAAAAB, s20  }
0x42: {  	s20 =	sor.u32 @!p1 s21, s20  }
0x43: {  	s21 =	smulhi.u32 @!p1 $0xAAAAAAAB, s20;
	s22 =	sshrl.u32 @!p1 s22, $0x8  }
0x44: {  	s23 =	smulhi.u32 @!p1 $0x147AE15, s22;
	_ =	sdelay $0x1  }
0x45: {  	s21 =	sshrl.u32 @!p1 s21, $0x8;
	s23 =	smul.u32 @!p1 $0xC8, s23  }
0x46: {  	s31 =	sadd.s32 $0xFFFFFFFF, s16;
	s21 =	smul.u32 @!p1 $0x180, s21  }
0x47: {  	s24 =	sxor.u32 @!p1 $0xFFFFFFFF, s16;
	s22 =	ssub.s32 @!p1 s22, s23;
	s23 =	smul.u32 @!p1 $0x2580, s15  }
0x48: {  	s24 =	sshll.u32 @!p1 s24, $0xE;
	s20 =	ssub.s32 @!p1 s20, s21;
	s21 =	smul.u32 @!p1 $0x30, s22  }
0x49: {  	s22 =	sand.u32 @!p1 $0x4000, s24;
	s24 =	sand.u32 @!p1 $0x7, s20;
	s23 =	sadd.s32 @!p1 s4, s23  }
0x4a: {  	s20 =	sshrl.u32 @!p1 s20, $0x3;
	s21 =	sadd.s32 @!p1 s21, s23;
	s23 =	sshll.u32 @!p1 s24, $0x12  }
0x4b: {  	s20 =	sadd.s32 @!p1 s20, s21;
	s21 =	sor.u32 @!p1 $0x80, s23;
	s23 =	simm.s32 @!p1 $0x12C00  }
0x4c: {  	[tilespmem:s22], [sflag:$0x1] =	stream.strided.gather @!p1 [hbm4b:s20+s21], $0x4000, s23, s21, $0x38;
	[tilespmem:$0x10100] =	vst v63  }
0x4d: {  	p1 =	sge.u32 s31, s6  }
.Ltmp2:
0x4e: {  	_ = 	snop;
	(pc) =	sbr.rel @p1 .LBB1_5-.Ltmp2, $1  }
0x4f: {  	_ =	sdelay $0x3  }
0x50: {  	s20 =	simm.s32 $0x1  }
0x51: {  	_ =	swait.ge [sflag:s5], $0x4000;
	s20 =	simm.s32 @!p0 $0x0  }
0x52: {  	[sflag:s5] =	ssyncset.done $0x0;
	s21 =	sshll.u32 s20, $0xE  }
0x53: {  	[sflag:s5] =	ssyncadd.s32 $0xFFFFC000;
	s21 =	sor.u32 $0x40, s21  }
0x54: {  	s20 =	smul.u32 $0x10200, s20;
	v0 =	vld [tilespmem:s21+$0x30]  }
0x55: {  	v1 =	vld [tilespmem:s21+$0xFFFFFFD0]  }
0x56: {  	s20 =	sshrl.u32 s20, $0x2;
	v5 =	vld [tilespmem:s21+$0xFFFFFFE0]  }
0x57: {  	v6 =	vld [tilespmem:s21+$0xFFFFFFF0];
	s23 =	sor.u32 $0x8000, s20  }
0x58: {  	s31 =	sand.u32 $0x1, s16;
	v4 =	vld [tilespmem:s21+$0x0];
	s22 =	sadd.s32 $0x0, s23  }
0x59: {  	v3 =	vld [tilespmem:s21+$0x10];
	s20 =	smul.u32 $0x10200, s31;
	[tilespmem:s22+$0x3870 ss:$0x81] =	vst.msk $0xffff, v0  }
0x5a: {  	v2 =	vld [tilespmem:s21+$0x20];
	[tilespmem:s22+$0x810 ss:$0x81] =	vst.msk $0xffff, v1  }
0x5b: {  	s20 =	sshrl.u32 s20, $0x2;
	v1 =	vld [tilespmem:s21+$0xFFFFFFC0];
	[tilespmem:s22+$0x1020 ss:$0x81] =	vst.msk $0xffff, v5;
	s21 =	sadd.s32 $0x80, s21  }
0x5c: {  	s24 =	simm.s32 $0x4;
	s25 =	simm.s32 $0x8;
	s20 =	sor.u32 $0x8000, s20;
	[tilespmem:s22+$0x1830 ss:$0x81] =	vst.msk $0xffff, v6;
	v0 =	vld [tilespmem:s21+$0x30]  }
.LBB1_3:
0x5d: {  	p1 =	sne.s32 s25, $0x1FC;
	v5 =	vld [tilespmem:s21+$0xFFFFFFD0];
	[tilespmem:s22+$0x2040 ss:$0x81] =	vst.msk $0xffff, v4  }
0x5e: {  	v6 =	vld [tilespmem:s21+$0xFFFFFFE0];
	[tilespmem:s22+$0x2850 ss:$0x81] =	vst.msk $0xffff, v3  }
0x5f: {  	s26 =	sshra.s32 s24, $0x2;
	s24 =	smov.u32 s25;
	v7 =	vld [tilespmem:s21+$0xFFFFFFF0];
	[tilespmem:s22+$0x3060 ss:$0x81] =	vst.msk $0xffff, v2  }
.Ltmp3:
0x60: {  	v4 =	vld [tilespmem:s21+$0x0];
	[tilespmem:s22+$0x0 ss:$0x81] =	vst.msk $0xffff, v1;
	s22 =	sadd.s32 s26, s23;
	(pc) =	sbr.rel @p1 .LBB1_3-.Ltmp3, $4  }
0x61: {  	v3 =	vld [tilespmem:s21+$0x10];
	[tilespmem:s22+$0x3870 ss:$0x81] =	vst.msk $0xffff, v0  }
0x62: {  	[tilespmem:s22+$0x810 ss:$0x81] =	vst.msk $0xffff, v5;
	v2 =	vld [tilespmem:s21+$0x20]  }
0x63: {  	v1 =	vld [tilespmem:s21+$0xFFFFFFC0];
	[tilespmem:s22+$0x1020 ss:$0x81] =	vst.msk $0xffff, v6;
	s21 =	sadd.s32 $0x80, s21  }
0x64: {  	s25 =	sadd.s32 $0x4, s25;
	v0 =	vld [tilespmem:s21+$0x30];
	[tilespmem:s22+$0x1830 ss:$0x81] =	vst.msk $0xffff, v7  }
.Ltmp4:
0x65: {  	_ = 	snop;
	(pc) =	sbr.rel .LBB1_4-.Ltmp4, $1  }
0x66: {  	_ =	sdelay $0x3  }
.LBB1_6:
0x67: {  	_ =	sfence.sel $0x180000  }
0x68: {  	s2 =	simm.s32 $0x1;
	[bflag:$0x0] =	sbarrier.arrive $0xFFFF  }
0x69: {  	s31 =	simm.s32 $0x2;
	[sflag:s2] =	ssyncpa.u1 $0x1  }
0x6a: {  	[sflag:s31] =	ssyncpa.u1 $0x1  }
0x6b: {  	p0 =	sne.s32 s0, $0x0;
	_ =	strace $0x9000004A  }
0x6c: {  	s0 =	sadd.s32 @!p0 $0x100000, s1;
	[bflag:$0x2] =	sbarrier.arrive $0xFFFF  }
0x6d: {  	[sflag:s0] =	ssyncadd.tile.s32 @!p0 $0x1;
	_ =	shalt  }
.Lfunc_end1:
_tile_overlayer_lowered:
.L_overlay_start_2:
0x6e: {  	(tag) =	ssettag $0x2  }
0x6f: {  	s0 =	rddreg [dreg:$0x0];
	s2 =	stileid.u32  }
0x70: {  	s1 =	rddreg [dreg:$0x1];
	p0 =	sne.s32 s2, $0x0  }
0x71: {  	s3 =	rddreg [dreg:$0x2];
	[bflag:$0x3] =	sbarrier.arrive $0xFFFF;
	s2 =	simm.s32 @!p0 $0x1C01  }
0x72: {  	[timem:s3], [sflag:s2] =	dma.local @!p0 [hbm:s0], s1  }
0x73: {  	s0 =	simm.s32 @!p0 $0x1  }
0x74: {  	_ =	swait.ge @!p0 [sflag:s0], s1  }
0x75: {  	s1 =	ssub.s32 @!p0 $0x0, s1;
	[sflag:s0] =	ssyncset.done @!p0 $0x0  }
0x76: {  	[sflag:s0] =	ssyncadd.s32 @!p0 s1  }
0x77: {  	[bflag:$0x3] =	sbarrier.arrive $0xFFFF  }
0x78: {  	_ =	shalt  }

</sc_bundles>
